<compile_context>
chip_gen: v7x
topology: tpu7x:2x2x1
jax: 0.10.2.dev20260603
libtpu: 0.0.44.dev20260713+nightly
codegen_flags: <defaults>
</compile_context>

<pallas_src>
import functools

import jax
import jax.numpy as jnp
from jax import lax
from jax.experimental import pallas as pl
from jax.experimental.pallas import tpu as pltpu
from jax.experimental.pallas import tpu_sc as plsc

N = 10000
H = 128
E = 160000
ALPHA = 0.1

NC, NS = 2, 16
NW = NC * NS
EP = 163840
RPW = EP // NW // 128
NP = 10112
RPS = NP // NS
TRASH = N


def _sc_scatter_body(W, tab, srcg, dstg, zrows, out, acc, idxs, idxd, rows):
    c = lax.axis_index("c")
    s = lax.axis_index("s")
    wid = c * NS + s
    pltpu.sync_copy(zrows, acc.at[pl.ds(s * RPS, RPS)])
    plsc.subcore_barrier()
    base = wid * RPW

    @pl.loop(0, RPW // 8)
    def _(i):
        r0 = base + i * 8
        pltpu.sync_copy(srcg.at[pl.ds(r0, 8)], idxs)
        pltpu.sync_copy(dstg.at[pl.ds(r0, 8)], idxd)
        for j in range(8):
            pltpu.sync_copy(tab.at[idxs.at[j]], rows)
            pltpu.sync_copy(rows, acc.at[idxd.at[j]], add=True)

    plsc.subcore_barrier()
    pltpu.sync_copy(acc.at[pl.ds(s * RPS, RPS)], out.at[c, pl.ds(s * RPS, RPS)])


def _sc_scatter(table, srcg, dstg, W):
    mesh = plsc.VectorSubcoreMesh(core_axis_name="c", subcore_axis_name="s")
    zrows = jnp.zeros((RPS, W), jnp.float32)
    k = pl.kernel(
        functools.partial(_sc_scatter_body, W),
        out_type=jax.ShapeDtypeStruct((NC, NP, W), jnp.float32),
        mesh=mesh,
        scratch_types=[
            pltpu.VMEM_SHARED((NP, W), jnp.float32),
            pltpu.VMEM((8, 128), jnp.int32),
            pltpu.VMEM((8, 128), jnp.int32),
            pltpu.VMEM((128, W), jnp.float32),
        ],
        compiler_params=pltpu.CompilerParams(use_tc_tiling_on_sc=False),
    )
    return k(table, srcg, dstg, zrows)


def _tc1_body(he_ref, wllr_ref, out_ref):
    h = he_ref[...]
    llr = jnp.dot(h, wllr_ref[...].T, preferred_element_type=jnp.float32)
    pt = jnp.clip(-jnp.tanh(llr * 0.5), -0.999, 0.999)
    lg = jnp.log(jnp.maximum(jnp.abs(pt), 1e-8))
    neg = (pt < 0).astype(jnp.float32)
    pad = jnp.zeros((h.shape[0], 14), jnp.float32)
    out_ref[...] = jnp.concatenate([lg, neg, pad], axis=1)


def _tc1(hE2, W_llr):
    return pl.pallas_call(
        _tc1_body,
        out_shape=jax.ShapeDtypeStruct((N, 16), jnp.float32),
    )(hE2, W_llr)


def _tc2_body(hd_ref, parts_ref, w1a_ref, w1b_ref, b1_ref, w2_ref, b2_ref,
              hdn_ref, tab_ref):
    la = parts_ref[0, :, 0:1] + parts_ref[1, :, 0:1]
    ncnt = parts_ref[0, :, 1:2] + parts_ref[1, :, 1:2]
    sign = 1.0 - 2.0 * (ncnt % 2.0)
    par = sign * jnp.exp(jnp.minimum(la, 20.0))
    par = jnp.where(jnp.isfinite(par), par, 0.0)
    h = hd_ref[...]
    pre = (jnp.dot(h, w1a_ref[...].T, preferred_element_type=jnp.float32)
           + par * w1b_ref[...] + b1_ref[...])
    mixed = (jnp.dot(jnp.maximum(pre, 0.0), w2_ref[...].T,
                     preferred_element_type=jnp.float32) + b2_ref[...])
    hdn = h + ALPHA * mixed
    hdn_ref[...] = hdn
    r = h.shape[0]
    tab_ref[...] = jnp.concatenate(
        [hdn, jnp.ones((r, 1), jnp.float32), jnp.zeros((r, 15), jnp.float32)],
        axis=1)


def _tc2(hD2, parts1, W1a, w1b, b1, W2, b2):
    R = 1000
    grid = (N // R,)
    return pl.pallas_call(
        _tc2_body,
        grid=grid,
        in_specs=[
            pl.BlockSpec((R, H), lambda i: (i, 0)),
            pl.BlockSpec((NC, R, 16), lambda i: (0, i, 0)),
            pl.BlockSpec((H, H), lambda i: (0, 0)),
            pl.BlockSpec((1, H), lambda i: (0, 0)),
            pl.BlockSpec((1, H), lambda i: (0, 0)),
            pl.BlockSpec((H, H), lambda i: (0, 0)),
            pl.BlockSpec((1, H), lambda i: (0, 0)),
        ],
        out_specs=[
            pl.BlockSpec((R, H), lambda i: (i, 0)),
            pl.BlockSpec((R, 144), lambda i: (i, 0)),
        ],
        out_shape=[
            jax.ShapeDtypeStruct((N, H), jnp.float32),
            jax.ShapeDtypeStruct((N, 144), jnp.float32),
        ],
    )(hD2, parts1, W1a, w1b, b1, W2, b2)


def _tc3_body(he_ref, parts_ref, wsb_ref, out_ref):
    s = parts_ref[0] + parts_ref[1]
    cnt = jnp.maximum(s[:, 128:129], 1.0)
    agg = jnp.dot(s[:, :128], wsb_ref[...].T,
                  preferred_element_type=jnp.float32) / cnt
    out_ref[...] = he_ref[...] + ALPHA * agg


def _tc3(hE2, parts3, W_sb):
    R = 1000
    return pl.pallas_call(
        _tc3_body,
        grid=(N // R,),
        in_specs=[
            pl.BlockSpec((R, H), lambda i: (i, 0)),
            pl.BlockSpec((NC, R, 144), lambda i: (0, i, 0)),
            pl.BlockSpec((H, H), lambda i: (0, 0)),
        ],
        out_specs=pl.BlockSpec((R, H), lambda i: (i, 0)),
        out_shape=jax.ShapeDtypeStruct((N, H), jnp.float32),
    )(hE2, parts3, W_sb)


def _pad_edges(src, dst):
    pad = EP - E
    srcg = jnp.concatenate([src, jnp.zeros((pad,), jnp.int32)]).reshape(EP // 128, 128)
    dstg = jnp.concatenate([dst, jnp.full((pad,), TRASH, jnp.int32)]).reshape(EP // 128, 128)
    return srcg, dstg


def kernel(hD, hE, edge_e2d, edge_d2e, W_llr, W_m1, b_m1, W_m2, b_m2, W_sb):
    hD2, hE2 = hD[0], hE[0]
    srcg1, dstg1 = _pad_edges(edge_e2d[0].astype(jnp.int32),
                              edge_e2d[1].astype(jnp.int32))
    srcg2, dstg2 = _pad_edges(edge_d2e[0].astype(jnp.int32),
                              edge_d2e[1].astype(jnp.int32))

    table1 = _tc1(hE2, W_llr)
    parts1 = _sc_scatter(table1, srcg1, dstg1, 16)
    hD_new2, table3 = _tc2(hD2, parts1[:, :N, :], W_m1[:, :H],
                           W_m1[:, H].reshape(1, H), b_m1.reshape(1, H),
                           W_m2, b_m2.reshape(1, H))
    parts3 = _sc_scatter(table3, srcg2, dstg2, 144)
    hE_new2 = _tc3(hE2, parts3[:, :N, :], W_sb)
    return hD_new2[None], hE_new2[None]

# --- scband reference (transcript-rebuilt; emitter-appended) ---
"""Pipeline reference for scband-parity-channel-86260123173234 (READ-ONLY COPY).

The authoritative reference and input builder live on the scoring server;
editing this copy changes nothing except your own understanding.
"""

import jax, jax.numpy as jnp
import numpy as np

B = 1
N_D = 10000
N_E = 10000
E1 = 160000
E2 = 160000
H = 128
ALPHA = 0.1


def setup_inputs(seed: int = 0) -> dict:
    key = jax.random.key(seed)
    ks = jax.random.split(key, 8)
    hD = jax.random.normal(ks[0], (B, N_D, H), dtype=jnp.float32)
    hE = jax.random.normal(ks[1], (B, N_E, H), dtype=jnp.float32)
    edge_e2d = jax.random.randint(ks[2], (2, E1), 0, N_D, dtype=jnp.int64) if jax.config.jax_enable_x64 else jax.random.randint(ks[2], (2, E1), 0, N_D, dtype=jnp.int32)
    edge_d2e = jax.random.randint(ks[3], (2, E2), 0, N_E, dtype=jnp.int64) if jax.config.jax_enable_x64 else jax.random.randint(ks[3], (2, E2), 0, N_E, dtype=jnp.int32)
    s = 1.0 / np.sqrt(H)
    W_llr = (jax.random.normal(ks[4], (1, H), dtype=jnp.float32) * s)
    W_m1 = (jax.random.normal(ks[5], (H, H + 1), dtype=jnp.float32) * s)
    b_m1 = jnp.zeros((H,), dtype=jnp.float32)
    W_m2 = (jax.random.normal(ks[6], (H, H), dtype=jnp.float32) * s)
    b_m2 = jnp.zeros((H,), dtype=jnp.float32)
    W_sb = (jax.random.normal(ks[7], (H, H), dtype=jnp.float32) * s)
    return {"hD": hD, "hE": hE, "edge_e2d": edge_e2d, "edge_d2e": edge_d2e,
            "W_llr": W_llr, "W_m1": W_m1, "b_m1": b_m1, "W_m2": W_m2, "b_m2": b_m2, "W_sb": W_sb}


def reference(hD, hE, edge_e2d, edge_d2e, W_llr, W_m1, b_m1, W_m2, b_m2, W_sb):
    dt = hD.dtype
    # llr projection on error nodes
    llr = hE @ W_llr.T                       # (B, N_e, 1)
    pt = -jnp.tanh(llr / 2.0)
    pt = jnp.clip(pt, -0.999, 0.999)
    e_src = edge_e2d[0]
    d_dst = edge_e2d[1]
    pt_edges = pt[:, e_src, :]               # (B, E1, 1) gather
    sign_edges = jnp.sign(pt_edges)
    abs_edges = jnp.maximum(jnp.abs(pt_edges), 1e-08)
    log_abs = jnp.log(abs_edges)
    log_agg = jnp.zeros((B, N_D, 1), dtype=dt).at[:, d_dst, :].add(log_abs)
    is_neg = (sign_edges < 0).astype(dt)
    neg_count = jnp.zeros((B, N_D, 1), dtype=dt).at[:, d_dst, :].add(is_neg)
    sign_agg = 1.0 - 2.0 * (neg_count % 2)
    parity_agg = sign_agg * jnp.exp(jnp.minimum(log_agg, 20.0))
    parity_agg = jnp.where(jnp.isfinite(parity_agg), parity_agg, jnp.zeros_like(parity_agg))
    # mix into detector embeddings
    cat = jnp.concatenate([hD, parity_agg], axis=-1)      # (B, N_d, H+1)
    mixed_d = jax.nn.relu(cat @ W_m1.T + b_m1) @ W_m2.T + b_m2
    hD_new = hD + ALPHA * mixed_d
    # scatter back D -> E (mean aggregation)
    d_src_de = edge_d2e[0]
    e_dst_de = edge_d2e[1]
    hD_msg = hD_new[:, d_src_de, :] @ W_sb.T              # (B, E2, H)
    agg_d2e = jnp.zeros((B, N_E, H), dtype=dt).at[:, e_dst_de, :].add(hD_msg)
    count_e = jnp.zeros((B, N_E, 1), dtype=dt).at[:, e_dst_de, :].add(jnp.ones((B, E2, 1), dtype=dt))
    count_e = jnp.maximum(count_e, 1.0)
    agg_d2e = agg_d2e / count_e
    hE_new = hE + ALPHA * agg_d2e
    return (hD_new, hE_new)

if __name__ == "__main__":
    import jax
    _d = setup_inputs()
    print(jax.jit(kernel)(*tuple(_d.values())))

</pallas_src>

<mosaic_0001>
#map = affine_map<(d0, d1) -> (0, 0)>
#map1 = affine_map<(d0, d1) -> (0, 0, 0)>
module attributes {stable_mosaic.version = 14 : i64} {
  func.func @_sc_scatter_body(%arg0: i32, %arg1: i32, %arg2: memref<10000x144xf32, #tpu.memory_space<hbm>>, %arg3: memref<1280x128xi32, #tpu.memory_space<hbm>>, %arg4: memref<1280x128xi32, #tpu.memory_space<hbm>>, %arg5: memref<632x144xf32, #tpu.memory_space<hbm>>, %arg6: memref<2x10112x144xf32, #tpu.memory_space<hbm>>, %arg7: memref<10112x144xf32, #tpu.memory_space<vmem_shared>>, %arg8: memref<8x128xi32, #tpu.memory_space<vmem>>, %arg9: memref<8x128xi32, #tpu.memory_space<vmem>>, %arg10: memref<128x144xf32, #tpu.memory_space<vmem>>) attributes {dimension_semantics = [#tpu.dimension_semantics<core_parallel>, #tpu.dimension_semantics<subcore_parallel>], iteration_bounds = array<i64: 2, 16>, scalar_prefetch = 0 : i64, scratch_operands = 4 : i64, tpu.core_type = #tpu.core_type<sc_vector_subcore>, window_params = [{transform_indices = #map}, {transform_indices = #map}, {transform_indices = #map}, {transform_indices = #map}, {transform_indices = #map1}]} {
    %mul3A = arith.constant 16 : i32
    %mul3A_0 = arith.muli %arg0, %mul3A : i32
    %add3A = arith.addi %mul3A_0, %arg1 : i32
    %mul3A_1 = arith.constant 632 : i32
    %mul3A_2 = arith.muli %arg1, %mul3A_1 : i32
    "tpu.region"() ({
      %run_scoped3A = tpu.sem_alloc : memref<!tpu.dma_semaphore, #tpu.memory_space<semaphore_mem>>
      %dma_start3A = arith.constant 0 : i32
      %dma_start3A_14 = tpu.memref_slice %arg7[%mul3A_2, %dma_start3A] : memref<10112x144xf32, #tpu.memory_space<vmem_shared>> -> memref<632x144xf32, #tpu.memory_space<vmem_shared>>
      tpu.enqueue_dma source(%arg5 : memref<632x144xf32, #tpu.memory_space<hbm>>) target(%dma_start3A_14 : memref<632x144xf32, #tpu.memory_space<vmem_shared>>) target_semaphore(%run_scoped3A : memref<!tpu.dma_semaphore, #tpu.memory_space<semaphore_mem>>)
      %dma_wait3A = arith.constant 0 : i32
      %dma_wait3A_15 = tpu.memref_slice %arg7[%mul3A_2, %dma_wait3A] : memref<10112x144xf32, #tpu.memory_space<vmem_shared>> -> memref<632x144xf32, #tpu.memory_space<vmem_shared>>
      tpu.wait_dma2 semaphore(%run_scoped3A : memref<!tpu.dma_semaphore, #tpu.memory_space<semaphore_mem>>) src(%arg5 : memref<632x144xf32, #tpu.memory_space<hbm>>) dst(%dma_wait3A_15 : memref<632x144xf32, #tpu.memory_space<vmem_shared>>)
      tpu.yield
    }) : () -> ()
    %barrier3A = arith.constant 0 : index
    tpu.barrier barrier_id(%barrier3A)
    %mul3A_3 = arith.constant 40 : i32
    %mul3A_4 = arith.muli %add3A, %mul3A_3 : i32
    %scan3A = arith.constant 0 : i32
    %scan3A_5 = arith.constant 5 : i32
    %scan3A_6 = arith.addi %scan3A, %scan3A_5 : i32
    %scan3A_7 = arith.constant 1 : i32
    scf.for %scan3A_14 = %scan3A to %scan3A_6 step %scan3A_7  : i32 {
      %mul3A_15 = arith.constant 1 : i32
      %mul3A_16 = arith.muli %scan3A_14, %mul3A_15 : i32
      %add3A_17 = arith.constant 0 : i32
      %add3A_18 = arith.addi %add3A_17, %mul3A_16 : i32
      %mul3A_19 = arith.constant 8 : i32
      %mul3A_20 = arith.muli %add3A_18, %mul3A_19 : i32
      %add3A_21 = arith.addi %mul3A_4, %mul3A_20 : i32
      "tpu.region"() ({
        %run_scoped3A_37 = tpu.sem_alloc : memref<!tpu.dma_semaphore, #tpu.memory_space<semaphore_mem>>
        %dma_start3A = arith.constant 0 : i32
        %dma_start3A_38 = tpu.memref_slice %arg3[%add3A_21, %dma_start3A] : memref<1280x128xi32, #tpu.memory_space<hbm>> -> memref<8x128xi32, #tpu.memory_space<hbm>>
        %dma_start3A_39 = arith.constant 0 : i32
        %dma_start3A_40 = tpu.memref_slice %arg3[%add3A_21, %dma_start3A_39] : memref<1280x128xi32, #tpu.memory_space<hbm>> -> memref<8x128xi32, #tpu.memory_space<hbm>>
        tpu.enqueue_dma source(%dma_start3A_40 : memref<8x128xi32, #tpu.memory_space<hbm>>) target(%arg8 : memref<8x128xi32, #tpu.memory_space<vmem>>) target_semaphore(%run_scoped3A_37 : memref<!tpu.dma_semaphore, #tpu.memory_space<semaphore_mem>>)
        %dma_wait3A = arith.constant 0 : i32
        %dma_wait3A_41 = tpu.memref_slice %arg3[%add3A_21, %dma_wait3A] : memref<1280x128xi32, #tpu.memory_space<hbm>> -> memref<8x128xi32, #tpu.memory_space<hbm>>
        %dma_wait3A_42 = arith.constant 0 : i32
        %dma_wait3A_43 = tpu.memref_slice %arg3[%add3A_21, %dma_wait3A_42] : memref<1280x128xi32, #tpu.memory_space<hbm>> -> memref<8x128xi32, #tpu.memory_space<hbm>>
        tpu.wait_dma2 semaphore(%run_scoped3A_37 : memref<!tpu.dma_semaphore, #tpu.memory_space<semaphore_mem>>) src(%dma_wait3A_43 : memref<8x128xi32, #tpu.memory_space<hbm>>) dst(%arg8 : memref<8x128xi32, #tpu.memory_space<vmem>>)
        tpu.yield
      }) : () -> ()
      "tpu.region"() ({
        %run_scoped3A_37 = tpu.sem_alloc : memref<!tpu.dma_semaphore, #tpu.memory_space<semaphore_mem>>
        %dma_start3A = arith.constant 0 : i32
        %dma_start3A_38 = tpu.memref_slice %arg4[%add3A_21, %dma_start3A] : memref<1280x128xi32, #tpu.memory_space<hbm>> -> memref<8x128xi32, #tpu.memory_space<hbm>>
        %dma_start3A_39 = arith.constant 0 : i32
        %dma_start3A_40 = tpu.memref_slice %arg4[%add3A_21, %dma_start3A_39] : memref<1280x128xi32, #tpu.memory_space<hbm>> -> memref<8x128xi32, #tpu.memory_space<hbm>>
        tpu.enqueue_dma source(%dma_start3A_40 : memref<8x128xi32, #tpu.memory_space<hbm>>) target(%arg9 : memref<8x128xi32, #tpu.memory_space<vmem>>) target_semaphore(%run_scoped3A_37 : memref<!tpu.dma_semaphore, #tpu.memory_space<semaphore_mem>>)
        %dma_wait3A = arith.constant 0 : i32
        %dma_wait3A_41 = tpu.memref_slice %arg4[%add3A_21, %dma_wait3A] : memref<1280x128xi32, #tpu.memory_space<hbm>> -> memref<8x128xi32, #tpu.memory_space<hbm>>
        %dma_wait3A_42 = arith.constant 0 : i32
        %dma_wait3A_43 = tpu.memref_slice %arg4[%add3A_21, %dma_wait3A_42] : memref<1280x128xi32, #tpu.memory_space<hbm>> -> memref<8x128xi32, #tpu.memory_space<hbm>>
        tpu.wait_dma2 semaphore(%run_scoped3A_37 : memref<!tpu.dma_semaphore, #tpu.memory_space<semaphore_mem>>) src(%dma_wait3A_43 : memref<8x128xi32, #tpu.memory_space<hbm>>) dst(%arg9 : memref<8x128xi32, #tpu.memory_space<vmem>>)
        tpu.yield
      }) : () -> ()
      %run_scoped3A = arith.constant 0 : i32
      "tpu.region"() ({
        %run_scoped3A_37 = tpu.sem_alloc : memref<!tpu.dma_semaphore, #tpu.memory_space<semaphore_mem>>
        %dma_start3A = arith.constant 0 : i32
        %dma_start3A_38 = tpu.memref_slice %arg8[%run_scoped3A, %dma_start3A] : memref<8x128xi32, #tpu.memory_space<vmem>> -> memref<1x128xi32, #tpu.memory_space<vmem>>
        %dma_start3A_39 = tpu.memref_squeeze %dma_start3A_38 : memref<1x128xi32, #tpu.memory_space<vmem>> -> memref<128xi32, #tpu.memory_space<vmem>>
        %dma_start3A_40 = arith.constant 0 : i32
        %dma_start3A_41 = arith.constant 0 : i32
        %dma_start3A_42 = tpu.memref_slice %arg2[%dma_start3A_40, %dma_start3A_41] : memref<10000x144xf32, #tpu.memory_space<hbm>> -> memref<10000x144xf32, #tpu.memory_space<hbm>>
        tpu.enqueue_indirect_dma source(%dma_start3A_42 : memref<10000x144xf32, #tpu.memory_space<hbm>>) target(%arg10 : memref<128x144xf32, #tpu.memory_space<vmem>>) offsets(%dma_start3A_39 : memref<128xi32, #tpu.memory_space<vmem>>) semaphore(%run_scoped3A_37 : memref<!tpu.dma_semaphore, #tpu.memory_space<semaphore_mem>>)
        %dma_wait3A = arith.constant 0 : i32
        %dma_wait3A_43 = tpu.memref_slice %arg8[%run_scoped3A, %dma_wait3A] : memref<8x128xi32, #tpu.memory_space<vmem>> -> memref<1x128xi32, #tpu.memory_space<vmem>>
        %dma_wait3A_44 = tpu.memref_squeeze %dma_wait3A_43 : memref<1x128xi32, #tpu.memory_space<vmem>> -> memref<128xi32, #tpu.memory_space<vmem>>
        %dma_wait3A_45 = arith.constant 0 : i32
        %dma_wait3A_46 = arith.constant 0 : i32
        %dma_wait3A_47 = tpu.memref_slice %arg2[%dma_wait3A_45, %dma_wait3A_46] : memref<10000x144xf32, #tpu.memory_space<hbm>> -> memref<10000x144xf32, #tpu.memory_space<hbm>>
        tpu.wait_indirect_dma semaphore(%run_scoped3A_37 : memref<!tpu.dma_semaphore, #tpu.memory_space<semaphore_mem>>) src(%dma_wait3A_47 : memref<10000x144xf32, #tpu.memory_space<hbm>>) dst(%arg10 : memref<128x144xf32, #tpu.memory_space<vmem>>)
        tpu.yield
      }) : () -> ()
      %run_scoped3A_22 = arith.constant 0 : i32
      "tpu.region"() ({
        %run_scoped3A_37 = tpu.sem_alloc : memref<!tpu.dma_semaphore, #tpu.memory_space<semaphore_mem>>
        %dma_start3A = arith.constant 0 : i32
        %dma_start3A_38 = tpu.memref_slice %arg9[%run_scoped3A_22, %dma_start3A] : memref<8x128xi32, #tpu.memory_space<vmem>> -> memref<1x128xi32, #tpu.memory_space<vmem>>
        %dma_start3A_39 = tpu.memref_squeeze %dma_start3A_38 : memref<1x128xi32, #tpu.memory_space<vmem>> -> memref<128xi32, #tpu.memory_space<vmem>>
        %dma_start3A_40 = arith.constant 0 : i32
        %dma_start3A_41 = arith.constant 0 : i32
        %dma_start3A_42 = tpu.memref_slice %arg7[%dma_start3A_40, %dma_start3A_41] : memref<10112x144xf32, #tpu.memory_space<vmem_shared>> -> memref<10112x144xf32, #tpu.memory_space<vmem_shared>>
        tpu.enqueue_indirect_dma source(%arg10 : memref<128x144xf32, #tpu.memory_space<vmem>>) target(%dma_start3A_42 : memref<10112x144xf32, #tpu.memory_space<vmem_shared>>) offsets(%dma_start3A_39 : memref<128xi32, #tpu.memory_space<vmem>>) semaphore(%run_scoped3A_37 : memref<!tpu.dma_semaphore, #tpu.memory_space<semaphore_mem>>) {add = true}
        %dma_wait3A = arith.constant 0 : i32
        %dma_wait3A_43 = tpu.memref_slice %arg9[%run_scoped3A_22, %dma_wait3A] : memref<8x128xi32, #tpu.memory_space<vmem>> -> memref<1x128xi32, #tpu.memory_space<vmem>>
        %dma_wait3A_44 = tpu.memref_squeeze %dma_wait3A_43 : memref<1x128xi32, #tpu.memory_space<vmem>> -> memref<128xi32, #tpu.memory_space<vmem>>
        %dma_wait3A_45 = arith.constant 0 : i32
        %dma_wait3A_46 = arith.constant 0 : i32
        %dma_wait3A_47 = tpu.memref_slice %arg7[%dma_wait3A_45, %dma_wait3A_46] : memref<10112x144xf32, #tpu.memory_space<vmem_shared>> -> memref<10112x144xf32, #tpu.memory_space<vmem_shared>>
        tpu.wait_indirect_dma semaphore(%run_scoped3A_37 : memref<!tpu.dma_semaphore, #tpu.memory_space<semaphore_mem>>) src(%arg10 : memref<128x144xf32, #tpu.memory_space<vmem>>) dst(%dma_wait3A_47 : memref<10112x144xf32, #tpu.memory_space<vmem_shared>>)
        tpu.yield
      }) : () -> ()
      %run_scoped3A_23 = arith.constant 1 : i32
      "tpu.region"() ({
        %run_scoped3A_37 = tpu.sem_alloc : memref<!tpu.dma_semaphore, #tpu.memory_space<semaphore_mem>>
        %dma_start3A = arith.constant 0 : i32
        %dma_start3A_38 = tpu.memref_slice %arg8[%run_scoped3A_23, %dma_start3A] : memref<8x128xi32, #tpu.memory_space<vmem>> -> memref<1x128xi32, #tpu.memory_space<vmem>>
        %dma_start3A_39 = tpu.memref_squeeze %dma_start3A_38 : memref<1x128xi32, #tpu.memory_space<vmem>> -> memref<128xi32, #tpu.memory_space<vmem>>
        %dma_start3A_40 = arith.constant 0 : i32
        %dma_start3A_41 = arith.constant 0 : i32
        %dma_start3A_42 = tpu.memref_slice %arg2[%dma_start3A_40, %dma_start3A_41] : memref<10000x144xf32, #tpu.memory_space<hbm>> -> memref<10000x144xf32, #tpu.memory_space<hbm>>
        tpu.enqueue_indirect_dma source(%dma_start3A_42 : memref<10000x144xf32, #tpu.memory_space<hbm>>) target(%arg10 : memref<128x144xf32, #tpu.memory_space<vmem>>) offsets(%dma_start3A_39 : memref<128xi32, #tpu.memory_space<vmem>>) semaphore(%run_scoped3A_37 : memref<!tpu.dma_semaphore, #tpu.memory_space<semaphore_mem>>)
        %dma_wait3A = arith.constant 0 : i32
        %dma_wait3A_43 = tpu.memref_slice %arg8[%run_scoped3A_23, %dma_wait3A] : memref<8x128xi32, #tpu.memory_space<vmem>> -> memref<1x128xi32, #tpu.memory_space<vmem>>
        %dma_wait3A_44 = tpu.memref_squeeze %dma_wait3A_43 : memref<1x128xi32, #tpu.memory_space<vmem>> -> memref<128xi32, #tpu.memory_space<vmem>>
        %dma_wait3A_45 = arith.constant 0 : i32
        %dma_wait3A_46 = arith.constant 0 : i32
        %dma_wait3A_47 = tpu.memref_slice %arg2[%dma_wait3A_45, %dma_wait3A_46] : memref<10000x144xf32, #tpu.memory_space<hbm>> -> memref<10000x144xf32, #tpu.memory_space<hbm>>
        tpu.wait_indirect_dma semaphore(%run_scoped3A_37 : memref<!tpu.dma_semaphore, #tpu.memory_space<semaphore_mem>>) src(%dma_wait3A_47 : memref<10000x144xf32, #tpu.memory_space<hbm>>) dst(%arg10 : memref<128x144xf32, #tpu.memory_space<vmem>>)
        tpu.yield
      }) : () -> ()
      %run_scoped3A_24 = arith.constant 1 : i32
      "tpu.region"() ({
        %run_scoped3A_37 = tpu.sem_alloc : memref<!tpu.dma_semaphore, #tpu.memory_space<semaphore_mem>>
        %dma_start3A = arith.constant 0 : i32
        %dma_start3A_38 = tpu.memref_slice %arg9[%run_scoped3A_24, %dma_start3A] : memref<8x128xi32, #tpu.memory_space<vmem>> -> memref<1x128xi32, #tpu.memory_space<vmem>>
        %dma_start3A_39 = tpu.memref_squeeze %dma_start3A_38 : memref<1x128xi32, #tpu.memory_space<vmem>> -> memref<128xi32, #tpu.memory_space<vmem>>
        %dma_start3A_40 = arith.constant 0 : i32
        %dma_start3A_41 = arith.constant 0 : i32
        %dma_start3A_42 = tpu.memref_slice %arg7[%dma_start3A_40, %dma_start3A_41] : memref<10112x144xf32, #tpu.memory_space<vmem_shared>> -> memref<10112x144xf32, #tpu.memory_space<vmem_shared>>
        tpu.enqueue_indirect_dma source(%arg10 : memref<128x144xf32, #tpu.memory_space<vmem>>) target(%dma_start3A_42 : memref<10112x144xf32, #tpu.memory_space<vmem_shared>>) offsets(%dma_start3A_39 : memref<128xi32, #tpu.memory_space<vmem>>) semaphore(%run_scoped3A_37 : memref<!tpu.dma_semaphore, #tpu.memory_space<semaphore_mem>>) {add = true}
        %dma_wait3A = arith.constant 0 : i32
        %dma_wait3A_43 = tpu.memref_slice %arg9[%run_scoped3A_24, %dma_wait3A] : memref<8x128xi32, #tpu.memory_space<vmem>> -> memref<1x128xi32, #tpu.memory_space<vmem>>
        %dma_wait3A_44 = tpu.memref_squeeze %dma_wait3A_43 : memref<1x128xi32, #tpu.memory_space<vmem>> -> memref<128xi32, #tpu.memory_space<vmem>>
        %dma_wait3A_45 = arith.constant 0 : i32
        %dma_wait3A_46 = arith.constant 0 : i32
        %dma_wait3A_47 = tpu.memref_slice %arg7[%dma_wait3A_45, %dma_wait3A_46] : memref<10112x144xf32, #tpu.memory_space<vmem_shared>> -> memref<10112x144xf32, #tpu.memory_space<vmem_shared>>
        tpu.wait_indirect_dma semaphore(%run_scoped3A_37 : memref<!tpu.dma_semaphore, #tpu.memory_space<semaphore_mem>>) src(%arg10 : memref<128x144xf32, #tpu.memory_space<vmem>>) dst(%dma_wait3A_47 : memref<10112x144xf32, #tpu.memory_space<vmem_shared>>)
        tpu.yield
      }) : () -> ()
      %run_scoped3A_25 = arith.constant 2 : i32
      "tpu.region"() ({
        %run_scoped3A_37 = tpu.sem_alloc : memref<!tpu.dma_semaphore, #tpu.memory_space<semaphore_mem>>
        %dma_start3A = arith.constant 0 : i32
        %dma_start3A_38 = tpu.memref_slice %arg8[%run_scoped3A_25, %dma_start3A] : memref<8x128xi32, #tpu.memory_space<vmem>> -> memref<1x128xi32, #tpu.memory_space<vmem>>
        %dma_start3A_39 = tpu.memref_squeeze %dma_start3A_38 : memref<1x128xi32, #tpu.memory_space<vmem>> -> memref<128xi32, #tpu.memory_space<vmem>>
        %dma_start3A_40 = arith.constant 0 : i32
        %dma_start3A_41 = arith.constant 0 : i32
        %dma_start3A_42 = tpu.memref_slice %arg2[%dma_start3A_40, %dma_start3A_41] : memref<10000x144xf32, #tpu.memory_space<hbm>> -> memref<10000x144xf32, #tpu.memory_space<hbm>>
        tpu.enqueue_indirect_dma source(%dma_start3A_42 : memref<10000x144xf32, #tpu.memory_space<hbm>>) target(%arg10 : memref<128x144xf32, #tpu.memory_space<vmem>>) offsets(%dma_start3A_39 : memref<128xi32, #tpu.memory_space<vmem>>) semaphore(%run_scoped3A_37 : memref<!tpu.dma_semaphore, #tpu.memory_space<semaphore_mem>>)
        %dma_wait3A = arith.constant 0 : i32
        %dma_wait3A_43 = tpu.memref_slice %arg8[%run_scoped3A_25, %dma_wait3A] : memref<8x128xi32, #tpu.memory_space<vmem>> -> memref<1x128xi32, #tpu.memory_space<vmem>>
        %dma_wait3A_44 = tpu.memref_squeeze %dma_wait3A_43 : memref<1x128xi32, #tpu.memory_space<vmem>> -> memref<128xi32, #tpu.memory_space<vmem>>
        %dma_wait3A_45 = arith.constant 0 : i32
        %dma_wait3A_46 = arith.constant 0 : i32
        %dma_wait3A_47 = tpu.memref_slice %arg2[%dma_wait3A_45, %dma_wait3A_46] : memref<10000x144xf32, #tpu.memory_space<hbm>> -> memref<10000x144xf32, #tpu.memory_space<hbm>>
        tpu.wait_indirect_dma semaphore(%run_scoped3A_37 : memref<!tpu.dma_semaphore, #tpu.memory_space<semaphore_mem>>) src(%dma_wait3A_47 : memref<10000x144xf32, #tpu.memory_space<hbm>>) dst(%arg10 : memref<128x144xf32, #tpu.memory_space<vmem>>)
        tpu.yield
      }) : () -> ()
      %run_scoped3A_26 = arith.constant 2 : i32
      "tpu.region"() ({
        %run_scoped3A_37 = tpu.sem_alloc : memref<!tpu.dma_semaphore, #tpu.memory_space<semaphore_mem>>
        %dma_start3A = arith.constant 0 : i32
        %dma_start3A_38 = tpu.memref_slice %arg9[%run_scoped3A_26, %dma_start3A] : memref<8x128xi32, #tpu.memory_space<vmem>> -> memref<1x128xi32, #tpu.memory_space<vmem>>
        %dma_start3A_39 = tpu.memref_squeeze %dma_start3A_38 : memref<1x128xi32, #tpu.memory_space<vmem>> -> memref<128xi32, #tpu.memory_space<vmem>>
        %dma_start3A_40 = arith.constant 0 : i32
        %dma_start3A_41 = arith.constant 0 : i32
        %dma_start3A_42 = tpu.memref_slice %arg7[%dma_start3A_40, %dma_start3A_41] : memref<10112x144xf32, #tpu.memory_space<vmem_shared>> -> memref<10112x144xf32, #tpu.memory_space<vmem_shared>>
        tpu.enqueue_indirect_dma source(%arg10 : memref<128x144xf32, #tpu.memory_space<vmem>>) target(%dma_start3A_42 : memref<10112x144xf32, #tpu.memory_space<vmem_shared>>) offsets(%dma_start3A_39 : memref<128xi32, #tpu.memory_space<vmem>>) semaphore(%run_scoped3A_37 : memref<!tpu.dma_semaphore, #tpu.memory_space<semaphore_mem>>) {add = true}
        %dma_wait3A = arith.constant 0 : i32
        %dma_wait3A_43 = tpu.memref_slice %arg9[%run_scoped3A_26, %dma_wait3A] : memref<8x128xi32, #tpu.memory_space<vmem>> -> memref<1x128xi32, #tpu.memory_space<vmem>>
        %dma_wait3A_44 = tpu.memref_squeeze %dma_wait3A_43 : memref<1x128xi32, #tpu.memory_space<vmem>> -> memref<128xi32, #tpu.memory_space<vmem>>
        %dma_wait3A_45 = arith.constant 0 : i32
        %dma_wait3A_46 = arith.constant 0 : i32
        %dma_wait3A_47 = tpu.memref_slice %arg7[%dma_wait3A_45, %dma_wait3A_46] : memref<10112x144xf32, #tpu.memory_space<vmem_shared>> -> memref<10112x144xf32, #tpu.memory_space<vmem_shared>>
        tpu.wait_indirect_dma semaphore(%run_scoped3A_37 : memref<!tpu.dma_semaphore, #tpu.memory_space<semaphore_mem>>) src(%arg10 : memref<128x144xf32, #tpu.memory_space<vmem>>) dst(%dma_wait3A_47 : memref<10112x144xf32, #tpu.memory_space<vmem_shared>>)
        tpu.yield
      }) : () -> ()
      %run_scoped3A_27 = arith.constant 3 : i32
      "tpu.region"() ({
        %run_scoped3A_37 = tpu.sem_alloc : memref<!tpu.dma_semaphore, #tpu.memory_space<semaphore_mem>>
        %dma_start3A = arith.constant 0 : i32
        %dma_start3A_38 = tpu.memref_slice %arg8[%run_scoped3A_27, %dma_start3A] : memref<8x128xi32, #tpu.memory_space<vmem>> -> memref<1x128xi32, #tpu.memory_space<vmem>>
        %dma_start3A_39 = tpu.memref_squeeze %dma_start3A_38 : memref<1x128xi32, #tpu.memory_space<vmem>> -> memref<128xi32, #tpu.memory_space<vmem>>
        %dma_start3A_40 = arith.constant 0 : i32
        %dma_start3A_41 = arith.constant 0 : i32
        %dma_start3A_42 = tpu.memref_slice %arg2[%dma_start3A_40, %dma_start3A_41] : memref<10000x144xf32, #tpu.memory_space<hbm>> -> memref<10000x144xf32, #tpu.memory_space<hbm>>
        tpu.enqueue_indirect_dma source(%dma_start3A_42 : memref<10000x144xf32, #tpu.memory_space<hbm>>) target(%arg10 : memref<128x144xf32, #tpu.memory_space<vmem>>) offsets(%dma_start3A_39 : memref<128xi32, #tpu.memory_space<vmem>>) semaphore(%run_scoped3A_37 : memref<!tpu.dma_semaphore, #tpu.memory_space<semaphore_mem>>)
        %dma_wait3A = arith.constant 0 : i32
        %dma_wait3A_43 = tpu.memref_slice %arg8[%run_scoped3A_27, %dma_wait3A] : memref<8x128xi32, #tpu.memory_space<vmem>> -> memref<1x128xi32, #tpu.memory_space<vmem>>
        %dma_wait3A_44 = tpu.memref_squeeze %dma_wait3A_43 : memref<1x128xi32, #tpu.memory_space<vmem>> -> memref<128xi32, #tpu.memory_space<vmem>>
        %dma_wait3A_45 = arith.constant 0 : i32
        %dma_wait3A_46 = arith.constant 0 : i32
        %dma_wait3A_47 = tpu.memref_slice %arg2[%dma_wait3A_45, %dma_wait3A_46] : memref<10000x144xf32, #tpu.memory_space<hbm>> -> memref<10000x144xf32, #tpu.memory_space<hbm>>
        tpu.wait_indirect_dma semaphore(%run_scoped3A_37 : memref<!tpu.dma_semaphore, #tpu.memory_space<semaphore_mem>>) src(%dma_wait3A_47 : memref<10000x144xf32, #tpu.memory_space<hbm>>) dst(%arg10 : memref<128x144xf32, #tpu.memory_space<vmem>>)
        tpu.yield
      }) : () -> ()
      %run_scoped3A_28 = arith.constant 3 : i32
      "tpu.region"() ({
        %run_scoped3A_37 = tpu.sem_alloc : memref<!tpu.dma_semaphore, #tpu.memory_space<semaphore_mem>>
        %dma_start3A = arith.constant 0 : i32
        %dma_start3A_38 = tpu.memref_slice %arg9[%run_scoped3A_28, %dma_start3A] : memref<8x128xi32, #tpu.memory_space<vmem>> -> memref<1x128xi32, #tpu.memory_space<vmem>>
        %dma_start3A_39 = tpu.memref_squeeze %dma_start3A_38 : memref<1x128xi32, #tpu.memory_space<vmem>> -> memref<128xi32, #tpu.memory_space<vmem>>
        %dma_start3A_40 = arith.constant 0 : i32
        %dma_start3A_41 = arith.constant 0 : i32
        %dma_start3A_42 = tpu.memref_slice %arg7[%dma_start3A_40, %dma_start3A_41] : memref<10112x144xf32, #tpu.memory_space<vmem_shared>> -> memref<10112x144xf32, #tpu.memory_space<vmem_shared>>
        tpu.enqueue_indirect_dma source(%arg10 : memref<128x144xf32, #tpu.memory_space<vmem>>) target(%dma_start3A_42 : memref<10112x144xf32, #tpu.memory_space<vmem_shared>>) offsets(%dma_start3A_39 : memref<128xi32, #tpu.memory_space<vmem>>) semaphore(%run_scoped3A_37 : memref<!tpu.dma_semaphore, #tpu.memory_space<semaphore_mem>>) {add = true}
        %dma_wait3A = arith.constant 0 : i32
        %dma_wait3A_43 = tpu.memref_slice %arg9[%run_scoped3A_28, %dma_wait3A] : memref<8x128xi32, #tpu.memory_space<vmem>> -> memref<1x128xi32, #tpu.memory_space<vmem>>
        %dma_wait3A_44 = tpu.memref_squeeze %dma_wait3A_43 : memref<1x128xi32, #tpu.memory_space<vmem>> -> memref<128xi32, #tpu.memory_space<vmem>>
        %dma_wait3A_45 = arith.constant 0 : i32
        %dma_wait3A_46 = arith.constant 0 : i32
        %dma_wait3A_47 = tpu.memref_slice %arg7[%dma_wait3A_45, %dma_wait3A_46] : memref<10112x144xf32, #tpu.memory_space<vmem_shared>> -> memref<10112x144xf32, #tpu.memory_space<vmem_shared>>
        tpu.wait_indirect_dma semaphore(%run_scoped3A_37 : memref<!tpu.dma_semaphore, #tpu.memory_space<semaphore_mem>>) src(%arg10 : memref<128x144xf32, #tpu.memory_space<vmem>>) dst(%dma_wait3A_47 : memref<10112x144xf32, #tpu.memory_space<vmem_shared>>)
        tpu.yield
      }) : () -> ()
      %run_scoped3A_29 = arith.constant 4 : i32
      "tpu.region"() ({
        %run_scoped3A_37 = tpu.sem_alloc : memref<!tpu.dma_semaphore, #tpu.memory_space<semaphore_mem>>
        %dma_start3A = arith.constant 0 : i32
        %dma_start3A_38 = tpu.memref_slice %arg8[%run_scoped3A_29, %dma_start3A] : memref<8x128xi32, #tpu.memory_space<vmem>> -> memref<1x128xi32, #tpu.memory_space<vmem>>
        %dma_start3A_39 = tpu.memref_squeeze %dma_start3A_38 : memref<1x128xi32, #tpu.memory_space<vmem>> -> memref<128xi32, #tpu.memory_space<vmem>>
        %dma_start3A_40 = arith.constant 0 : i32
        %dma_start3A_41 = arith.constant 0 : i32
        %dma_start3A_42 = tpu.memref_slice %arg2[%dma_start3A_40, %dma_start3A_41] : memref<10000x144xf32, #tpu.memory_space<hbm>> -> memref<10000x144xf32, #tpu.memory_space<hbm>>
        tpu.enqueue_indirect_dma source(%dma_start3A_42 : memref<10000x144xf32, #tpu.memory_space<hbm>>) target(%arg10 : memref<128x144xf32, #tpu.memory_space<vmem>>) offsets(%dma_start3A_39 : memref<128xi32, #tpu.memory_space<vmem>>) semaphore(%run_scoped3A_37 : memref<!tpu.dma_semaphore, #tpu.memory_space<semaphore_mem>>)
        %dma_wait3A = arith.constant 0 : i32
        %dma_wait3A_43 = tpu.memref_slice %arg8[%run_scoped3A_29, %dma_wait3A] : memref<8x128xi32, #tpu.memory_space<vmem>> -> memref<1x128xi32, #tpu.memory_space<vmem>>
        %dma_wait3A_44 = tpu.memref_squeeze %dma_wait3A_43 : memref<1x128xi32, #tpu.memory_space<vmem>> -> memref<128xi32, #tpu.memory_space<vmem>>
        %dma_wait3A_45 = arith.constant 0 : i32
        %dma_wait3A_46 = arith.constant 0 : i32
        %dma_wait3A_47 = tpu.memref_slice %arg2[%dma_wait3A_45, %dma_wait3A_46] : memref<10000x144xf32, #tpu.memory_space<hbm>> -> memref<10000x144xf32, #tpu.memory_space<hbm>>
        tpu.wait_indirect_dma semaphore(%run_scoped3A_37 : memref<!tpu.dma_semaphore, #tpu.memory_space<semaphore_mem>>) src(%dma_wait3A_47 : memref<10000x144xf32, #tpu.memory_space<hbm>>) dst(%arg10 : memref<128x144xf32, #tpu.memory_space<vmem>>)
        tpu.yield
      }) : () -> ()
      %run_scoped3A_30 = arith.constant 4 : i32
      "tpu.region"() ({
        %run_scoped3A_37 = tpu.sem_alloc : memref<!tpu.dma_semaphore, #tpu.memory_space<semaphore_mem>>
        %dma_start3A = arith.constant 0 : i32
        %dma_start3A_38 = tpu.memref_slice %arg9[%run_scoped3A_30, %dma_start3A] : memref<8x128xi32, #tpu.memory_space<vmem>> -> memref<1x128xi32, #tpu.memory_space<vmem>>
        %dma_start3A_39 = tpu.memref_squeeze %dma_start3A_38 : memref<1x128xi32, #tpu.memory_space<vmem>> -> memref<128xi32, #tpu.memory_space<vmem>>
        %dma_start3A_40 = arith.constant 0 : i32
        %dma_start3A_41 = arith.constant 0 : i32
        %dma_start3A_42 = tpu.memref_slice %arg7[%dma_start3A_40, %dma_start3A_41] : memref<10112x144xf32, #tpu.memory_space<vmem_shared>> -> memref<10112x144xf32, #tpu.memory_space<vmem_shared>>
        tpu.enqueue_indirect_dma source(%arg10 : memref<128x144xf32, #tpu.memory_space<vmem>>) target(%dma_start3A_42 : memref<10112x144xf32, #tpu.memory_space<vmem_shared>>) offsets(%dma_start3A_39 : memref<128xi32, #tpu.memory_space<vmem>>) semaphore(%run_scoped3A_37 : memref<!tpu.dma_semaphore, #tpu.memory_space<semaphore_mem>>) {add = true}
        %dma_wait3A = arith.constant 0 : i32
        %dma_wait3A_43 = tpu.memref_slice %arg9[%run_scoped3A_30, %dma_wait3A] : memref<8x128xi32, #tpu.memory_space<vmem>> -> memref<1x128xi32, #tpu.memory_space<vmem>>
        %dma_wait3A_44 = tpu.memref_squeeze %dma_wait3A_43 : memref<1x128xi32, #tpu.memory_space<vmem>> -> memref<128xi32, #tpu.memory_space<vmem>>
        %dma_wait3A_45 = arith.constant 0 : i32
        %dma_wait3A_46 = arith.constant 0 : i32
        %dma_wait3A_47 = tpu.memref_slice %arg7[%dma_wait3A_45, %dma_wait3A_46] : memref<10112x144xf32, #tpu.memory_space<vmem_shared>> -> memref<10112x144xf32, #tpu.memory_space<vmem_shared>>
        tpu.wait_indirect_dma semaphore(%run_scoped3A_37 : memref<!tpu.dma_semaphore, #tpu.memory_space<semaphore_mem>>) src(%arg10 : memref<128x144xf32, #tpu.memory_space<vmem>>) dst(%dma_wait3A_47 : memref<10112x144xf32, #tpu.memory_space<vmem_shared>>)
        tpu.yield
      }) : () -> ()
      %run_scoped3A_31 = arith.constant 5 : i32
      "tpu.region"() ({
        %run_scoped3A_37 = tpu.sem_alloc : memref<!tpu.dma_semaphore, #tpu.memory_space<semaphore_mem>>
        %dma_start3A = arith.constant 0 : i32
        %dma_start3A_38 = tpu.memref_slice %arg8[%run_scoped3A_31, %dma_start3A] : memref<8x128xi32, #tpu.memory_space<vmem>> -> memref<1x128xi32, #tpu.memory_space<vmem>>
        %dma_start3A_39 = tpu.memref_squeeze %dma_start3A_38 : memref<1x128xi32, #tpu.memory_space<vmem>> -> memref<128xi32, #tpu.memory_space<vmem>>
        %dma_start3A_40 = arith.constant 0 : i32
        %dma_start3A_41 = arith.constant 0 : i32
        %dma_start3A_42 = tpu.memref_slice %arg2[%dma_start3A_40, %dma_start3A_41] : memref<10000x144xf32, #tpu.memory_space<hbm>> -> memref<10000x144xf32, #tpu.memory_space<hbm>>
        tpu.enqueue_indirect_dma source(%dma_start3A_42 : memref<10000x144xf32, #tpu.memory_space<hbm>>) target(%arg10 : memref<128x144xf32, #tpu.memory_space<vmem>>) offsets(%dma_start3A_39 : memref<128xi32, #tpu.memory_space<vmem>>) semaphore(%run_scoped3A_37 : memref<!tpu.dma_semaphore, #tpu.memory_space<semaphore_mem>>)
        %dma_wait3A = arith.constant 0 : i32
        %dma_wait3A_43 = tpu.memref_slice %arg8[%run_scoped3A_31, %dma_wait3A] : memref<8x128xi32, #tpu.memory_space<vmem>> -> memref<1x128xi32, #tpu.memory_space<vmem>>
        %dma_wait3A_44 = tpu.memref_squeeze %dma_wait3A_43 : memref<1x128xi32, #tpu.memory_space<vmem>> -> memref<128xi32, #tpu.memory_space<vmem>>
        %dma_wait3A_45 = arith.constant 0 : i32
        %dma_wait3A_46 = arith.constant 0 : i32
        %dma_wait3A_47 = tpu.memref_slice %arg2[%dma_wait3A_45, %dma_wait3A_46] : memref<10000x144xf32, #tpu.memory_space<hbm>> -> memref<10000x144xf32, #tpu.memory_space<hbm>>
        tpu.wait_indirect_dma semaphore(%run_scoped3A_37 : memref<!tpu.dma_semaphore, #tpu.memory_space<semaphore_mem>>) src(%dma_wait3A_47 : memref<10000x144xf32, #tpu.memory_space<hbm>>) dst(%arg10 : memref<128x144xf32, #tpu.memory_space<vmem>>)
        tpu.yield
      }) : () -> ()
      %run_scoped3A_32 = arith.constant 5 : i32
      "tpu.region"() ({
        %run_scoped3A_37 = tpu.sem_alloc : memref<!tpu.dma_semaphore, #tpu.memory_space<semaphore_mem>>
        %dma_start3A = arith.constant 0 : i32
        %dma_start3A_38 = tpu.memref_slice %arg9[%run_scoped3A_32, %dma_start3A] : memref<8x128xi32, #tpu.memory_space<vmem>> -> memref<1x128xi32, #tpu.memory_space<vmem>>
        %dma_start3A_39 = tpu.memref_squeeze %dma_start3A_38 : memref<1x128xi32, #tpu.memory_space<vmem>> -> memref<128xi32, #tpu.memory_space<vmem>>
        %dma_start3A_40 = arith.constant 0 : i32
        %dma_start3A_41 = arith.constant 0 : i32
        %dma_start3A_42 = tpu.memref_slice %arg7[%dma_start3A_40, %dma_start3A_41] : memref<10112x144xf32, #tpu.memory_space<vmem_shared>> -> memref<10112x144xf32, #tpu.memory_space<vmem_shared>>
        tpu.enqueue_indirect_dma source(%arg10 : memref<128x144xf32, #tpu.memory_space<vmem>>) target(%dma_start3A_42 : memref<10112x144xf32, #tpu.memory_space<vmem_shared>>) offsets(%dma_start3A_39 : memref<128xi32, #tpu.memory_space<vmem>>) semaphore(%run_scoped3A_37 : memref<!tpu.dma_semaphore, #tpu.memory_space<semaphore_mem>>) {add = true}
        %dma_wait3A = arith.constant 0 : i32
        %dma_wait3A_43 = tpu.memref_slice %arg9[%run_scoped3A_32, %dma_wait3A] : memref<8x128xi32, #tpu.memory_space<vmem>> -> memref<1x128xi32, #tpu.memory_space<vmem>>
        %dma_wait3A_44 = tpu.memref_squeeze %dma_wait3A_43 : memref<1x128xi32, #tpu.memory_space<vmem>> -> memref<128xi32, #tpu.memory_space<vmem>>
        %dma_wait3A_45 = arith.constant 0 : i32
        %dma_wait3A_46 = arith.constant 0 : i32
        %dma_wait3A_47 = tpu.memref_slice %arg7[%dma_wait3A_45, %dma_wait3A_46] : memref<10112x144xf32, #tpu.memory_space<vmem_shared>> -> memref<10112x144xf32, #tpu.memory_space<vmem_shared>>
        tpu.wait_indirect_dma semaphore(%run_scoped3A_37 : memref<!tpu.dma_semaphore, #tpu.memory_space<semaphore_mem>>) src(%arg10 : memref<128x144xf32, #tpu.memory_space<vmem>>) dst(%dma_wait3A_47 : memref<10112x144xf32, #tpu.memory_space<vmem_shared>>)
        tpu.yield
      }) : () -> ()
      %run_scoped3A_33 = arith.constant 6 : i32
      "tpu.region"() ({
        %run_scoped3A_37 = tpu.sem_alloc : memref<!tpu.dma_semaphore, #tpu.memory_space<semaphore_mem>>
        %dma_start3A = arith.constant 0 : i32
        %dma_start3A_38 = tpu.memref_slice %arg8[%run_scoped3A_33, %dma_start3A] : memref<8x128xi32, #tpu.memory_space<vmem>> -> memref<1x128xi32, #tpu.memory_space<vmem>>
        %dma_start3A_39 = tpu.memref_squeeze %dma_start3A_38 : memref<1x128xi32, #tpu.memory_space<vmem>> -> memref<128xi32, #tpu.memory_space<vmem>>
        %dma_start3A_40 = arith.constant 0 : i32
        %dma_start3A_41 = arith.constant 0 : i32
        %dma_start3A_42 = tpu.memref_slice %arg2[%dma_start3A_40, %dma_start3A_41] : memref<10000x144xf32, #tpu.memory_space<hbm>> -> memref<10000x144xf32, #tpu.memory_space<hbm>>
        tpu.enqueue_indirect_dma source(%dma_start3A_42 : memref<10000x144xf32, #tpu.memory_space<hbm>>) target(%arg10 : memref<128x144xf32, #tpu.memory_space<vmem>>) offsets(%dma_start3A_39 : memref<128xi32, #tpu.memory_space<vmem>>) semaphore(%run_scoped3A_37 : memref<!tpu.dma_semaphore, #tpu.memory_space<semaphore_mem>>)
        %dma_wait3A = arith.constant 0 : i32
        %dma_wait3A_43 = tpu.memref_slice %arg8[%run_scoped3A_33, %dma_wait3A] : memref<8x128xi32, #tpu.memory_space<vmem>> -> memref<1x128xi32, #tpu.memory_space<vmem>>
        %dma_wait3A_44 = tpu.memref_squeeze %dma_wait3A_43 : memref<1x128xi32, #tpu.memory_space<vmem>> -> memref<128xi32, #tpu.memory_space<vmem>>
        %dma_wait3A_45 = arith.constant 0 : i32
        %dma_wait3A_46 = arith.constant 0 : i32
        %dma_wait3A_47 = tpu.memref_slice %arg2[%dma_wait3A_45, %dma_wait3A_46] : memref<10000x144xf32, #tpu.memory_space<hbm>> -> memref<10000x144xf32, #tpu.memory_space<hbm>>
        tpu.wait_indirect_dma semaphore(%run_scoped3A_37 : memref<!tpu.dma_semaphore, #tpu.memory_space<semaphore_mem>>) src(%dma_wait3A_47 : memref<10000x144xf32, #tpu.memory_space<hbm>>) dst(%arg10 : memref<128x144xf32, #tpu.memory_space<vmem>>)
        tpu.yield
      }) : () -> ()
      %run_scoped3A_34 = arith.constant 6 : i32
      "tpu.region"() ({
        %run_scoped3A_37 = tpu.sem_alloc : memref<!tpu.dma_semaphore, #tpu.memory_space<semaphore_mem>>
        %dma_start3A = arith.constant 0 : i32
        %dma_start3A_38 = tpu.memref_slice %arg9[%run_scoped3A_34, %dma_start3A] : memref<8x128xi32, #tpu.memory_space<vmem>> -> memref<1x128xi32, #tpu.memory_space<vmem>>
        %dma_start3A_39 = tpu.memref_squeeze %dma_start3A_38 : memref<1x128xi32, #tpu.memory_space<vmem>> -> memref<128xi32, #tpu.memory_space<vmem>>
        %dma_start3A_40 = arith.constant 0 : i32
        %dma_start3A_41 = arith.constant 0 : i32
        %dma_start3A_42 = tpu.memref_slice %arg7[%dma_start3A_40, %dma_start3A_41] : memref<10112x144xf32, #tpu.memory_space<vmem_shared>> -> memref<10112x144xf32, #tpu.memory_space<vmem_shared>>
        tpu.enqueue_indirect_dma source(%arg10 : memref<128x144xf32, #tpu.memory_space<vmem>>) target(%dma_start3A_42 : memref<10112x144xf32, #tpu.memory_space<vmem_shared>>) offsets(%dma_start3A_39 : memref<128xi32, #tpu.memory_space<vmem>>) semaphore(%run_scoped3A_37 : memref<!tpu.dma_semaphore, #tpu.memory_space<semaphore_mem>>) {add = true}
        %dma_wait3A = arith.constant 0 : i32
        %dma_wait3A_43 = tpu.memref_slice %arg9[%run_scoped3A_34, %dma_wait3A] : memref<8x128xi32, #tpu.memory_space<vmem>> -> memref<1x128xi32, #tpu.memory_space<vmem>>
        %dma_wait3A_44 = tpu.memref_squeeze %dma_wait3A_43 : memref<1x128xi32, #tpu.memory_space<vmem>> -> memref<128xi32, #tpu.memory_space<vmem>>
        %dma_wait3A_45 = arith.constant 0 : i32
        %dma_wait3A_46 = arith.constant 0 : i32
        %dma_wait3A_47 = tpu.memref_slice %arg7[%dma_wait3A_45, %dma_wait3A_46] : memref<10112x144xf32, #tpu.memory_space<vmem_shared>> -> memref<10112x144xf32, #tpu.memory_space<vmem_shared>>
        tpu.wait_indirect_dma semaphore(%run_scoped3A_37 : memref<!tpu.dma_semaphore, #tpu.memory_space<semaphore_mem>>) src(%arg10 : memref<128x144xf32, #tpu.memory_space<vmem>>) dst(%dma_wait3A_47 : memref<10112x144xf32, #tpu.memory_space<vmem_shared>>)
        tpu.yield
      }) : () -> ()
      %run_scoped3A_35 = arith.constant 7 : i32
      "tpu.region"() ({
        %run_scoped3A_37 = tpu.sem_alloc : memref<!tpu.dma_semaphore, #tpu.memory_space<semaphore_mem>>
        %dma_start3A = arith.constant 0 : i32
        %dma_start3A_38 = tpu.memref_slice %arg8[%run_scoped3A_35, %dma_start3A] : memref<8x128xi32, #tpu.memory_space<vmem>> -> memref<1x128xi32, #tpu.memory_space<vmem>>
        %dma_start3A_39 = tpu.memref_squeeze %dma_start3A_38 : memref<1x128xi32, #tpu.memory_space<vmem>> -> memref<128xi32, #tpu.memory_space<vmem>>
        %dma_start3A_40 = arith.constant 0 : i32
        %dma_start3A_41 = arith.constant 0 : i32
        %dma_start3A_42 = tpu.memref_slice %arg2[%dma_start3A_40, %dma_start3A_41] : memref<10000x144xf32, #tpu.memory_space<hbm>> -> memref<10000x144xf32, #tpu.memory_space<hbm>>
        tpu.enqueue_indirect_dma source(%dma_start3A_42 : memref<10000x144xf32, #tpu.memory_space<hbm>>) target(%arg10 : memref<128x144xf32, #tpu.memory_space<vmem>>) offsets(%dma_start3A_39 : memref<128xi32, #tpu.memory_space<vmem>>) semaphore(%run_scoped3A_37 : memref<!tpu.dma_semaphore, #tpu.memory_space<semaphore_mem>>)
        %dma_wait3A = arith.constant 0 : i32
        %dma_wait3A_43 = tpu.memref_slice %arg8[%run_scoped3A_35, %dma_wait3A] : memref<8x128xi32, #tpu.memory_space<vmem>> -> memref<1x128xi32, #tpu.memory_space<vmem>>
        %dma_wait3A_44 = tpu.memref_squeeze %dma_wait3A_43 : memref<1x128xi32, #tpu.memory_space<vmem>> -> memref<128xi32, #tpu.memory_space<vmem>>
        %dma_wait3A_45 = arith.constant 0 : i32
        %dma_wait3A_46 = arith.constant 0 : i32
        %dma_wait3A_47 = tpu.memref_slice %arg2[%dma_wait3A_45, %dma_wait3A_46] : memref<10000x144xf32, #tpu.memory_space<hbm>> -> memref<10000x144xf32, #tpu.memory_space<hbm>>
        tpu.wait_indirect_dma semaphore(%run_scoped3A_37 : memref<!tpu.dma_semaphore, #tpu.memory_space<semaphore_mem>>) src(%dma_wait3A_47 : memref<10000x144xf32, #tpu.memory_space<hbm>>) dst(%arg10 : memref<128x144xf32, #tpu.memory_space<vmem>>)
        tpu.yield
      }) : () -> ()
      %run_scoped3A_36 = arith.constant 7 : i32
      "tpu.region"() ({
        %run_scoped3A_37 = tpu.sem_alloc : memref<!tpu.dma_semaphore, #tpu.memory_space<semaphore_mem>>
        %dma_start3A = arith.constant 0 : i32
        %dma_start3A_38 = tpu.memref_slice %arg9[%run_scoped3A_36, %dma_start3A] : memref<8x128xi32, #tpu.memory_space<vmem>> -> memref<1x128xi32, #tpu.memory_space<vmem>>
        %dma_start3A_39 = tpu.memref_squeeze %dma_start3A_38 : memref<1x128xi32, #tpu.memory_space<vmem>> -> memref<128xi32, #tpu.memory_space<vmem>>
        %dma_start3A_40 = arith.constant 0 : i32
        %dma_start3A_41 = arith.constant 0 : i32
        %dma_start3A_42 = tpu.memref_slice %arg7[%dma_start3A_40, %dma_start3A_41] : memref<10112x144xf32, #tpu.memory_space<vmem_shared>> -> memref<10112x144xf32, #tpu.memory_space<vmem_shared>>
        tpu.enqueue_indirect_dma source(%arg10 : memref<128x144xf32, #tpu.memory_space<vmem>>) target(%dma_start3A_42 : memref<10112x144xf32, #tpu.memory_space<vmem_shared>>) offsets(%dma_start3A_39 : memref<128xi32, #tpu.memory_space<vmem>>) semaphore(%run_scoped3A_37 : memref<!tpu.dma_semaphore, #tpu.memory_space<semaphore_mem>>) {add = true}
        %dma_wait3A = arith.constant 0 : i32
        %dma_wait3A_43 = tpu.memref_slice %arg9[%run_scoped3A_36, %dma_wait3A] : memref<8x128xi32, #tpu.memory_space<vmem>> -> memref<1x128xi32, #tpu.memory_space<vmem>>
        %dma_wait3A_44 = tpu.memref_squeeze %dma_wait3A_43 : memref<1x128xi32, #tpu.memory_space<vmem>> -> memref<128xi32, #tpu.memory_space<vmem>>
        %dma_wait3A_45 = arith.constant 0 : i32
        %dma_wait3A_46 = arith.constant 0 : i32
        %dma_wait3A_47 = tpu.memref_slice %arg7[%dma_wait3A_45, %dma_wait3A_46] : memref<10112x144xf32, #tpu.memory_space<vmem_shared>> -> memref<10112x144xf32, #tpu.memory_space<vmem_shared>>
        tpu.wait_indirect_dma semaphore(%run_scoped3A_37 : memref<!tpu.dma_semaphore, #tpu.memory_space<semaphore_mem>>) src(%arg10 : memref<128x144xf32, #tpu.memory_space<vmem>>) dst(%dma_wait3A_47 : memref<10112x144xf32, #tpu.memory_space<vmem_shared>>)
        tpu.yield
      }) : () -> ()
    }
    %scan3A_8 = arith.constant 5 : i32
    %barrier3A_9 = arith.constant 0 : index
    tpu.barrier barrier_id(%barrier3A_9)
    %mul3A_10 = arith.constant 632 : i32
    %mul3A_11 = arith.muli %arg1, %mul3A_10 : i32
    %mul3A_12 = arith.constant 632 : i32
    %mul3A_13 = arith.muli %arg1, %mul3A_12 : i32
    "tpu.region"() ({
      %run_scoped3A = tpu.sem_alloc : memref<!tpu.dma_semaphore, #tpu.memory_space<semaphore_mem>>
      %dma_start3A = arith.constant 0 : i32
      %dma_start3A_14 = tpu.memref_slice %arg6[%arg0, %mul3A_13, %dma_start3A] : memref<2x10112x144xf32, #tpu.memory_space<hbm>> -> memref<1x632x144xf32, #tpu.memory_space<hbm>>
      %dma_start3A_15 = tpu.memref_squeeze %dma_start3A_14 : memref<1x632x144xf32, #tpu.memory_space<hbm>> -> memref<632x144xf32, #tpu.memory_space<hbm>>
      %dma_start3A_16 = arith.constant 0 : i32
      %dma_start3A_17 = tpu.memref_slice %arg7[%mul3A_11, %dma_start3A_16] : memref<10112x144xf32, #tpu.memory_space<vmem_shared>> -> memref<632x144xf32, #tpu.memory_space<vmem_shared>>
      tpu.enqueue_dma source(%dma_start3A_17 : memref<632x144xf32, #tpu.memory_space<vmem_shared>>) target(%dma_start3A_15 : memref<632x144xf32, #tpu.memory_space<hbm>>) target_semaphore(%run_scoped3A : memref<!tpu.dma_semaphore, #tpu.memory_space<semaphore_mem>>)
      %dma_wait3A = arith.constant 0 : i32
      %dma_wait3A_18 = tpu.memref_slice %arg6[%arg0, %mul3A_13, %dma_wait3A] : memref<2x10112x144xf32, #tpu.memory_space<hbm>> -> memref<1x632x144xf32, #tpu.memory_space<hbm>>
      %dma_wait3A_19 = tpu.memref_squeeze %dma_wait3A_18 : memref<1x632x144xf32, #tpu.memory_space<hbm>> -> memref<632x144xf32, #tpu.memory_space<hbm>>
      %dma_wait3A_20 = arith.constant 0 : i32
      %dma_wait3A_21 = tpu.memref_slice %arg7[%mul3A_11, %dma_wait3A_20] : memref<10112x144xf32, #tpu.memory_space<vmem_shared>> -> memref<632x144xf32, #tpu.memory_space<vmem_shared>>
      tpu.wait_dma2 semaphore(%run_scoped3A : memref<!tpu.dma_semaphore, #tpu.memory_space<semaphore_mem>>) src(%dma_wait3A_21 : memref<632x144xf32, #tpu.memory_space<vmem_shared>>) dst(%dma_wait3A_19 : memref<632x144xf32, #tpu.memory_space<hbm>>)
      tpu.yield
    }) : () -> ()
    return
  }
}

#map = affine_map<(d0, d1) -> (0, 0)>
#map1 = affine_map<(d0, d1) -> (0, 0, 0)>
module attributes {stable_mosaic.version = 14 : i64} {
  func.func @_sc_scatter_body(%arg0: i32, %arg1: i32, %arg2: memref<10000x16xf32, #tpu.memory_space<hbm>>, %arg3: memref<1280x128xi32, #tpu.memory_space<hbm>>, %arg4: memref<1280x128xi32, #tpu.memory_space<hbm>>, %arg5: memref<632x16xf32, #tpu.memory_space<hbm>>, %arg6: memref<2x10112x16xf32, #tpu.memory_space<hbm>>, %arg7: memref<10112x16xf32, #tpu.memory_space<vmem_shared>>, %arg8: memref<8x128xi32, #tpu.memory_space<vmem>>, %arg9: memref<8x128xi32, #tpu.memory_space<vmem>>, %arg10: memref<128x16xf32, #tpu.memory_space<vmem>>) attributes {dimension_semantics = [#tpu.dimension_semantics<core_parallel>, #tpu.dimension_semantics<subcore_parallel>], iteration_bounds = array<i64: 2, 16>, scalar_prefetch = 0 : i64, scratch_operands = 4 : i64, tpu.core_type = #tpu.core_type<sc_vector_subcore>, window_params = [{transform_indices = #map}, {transform_indices = #map}, {transform_indices = #map}, {transform_indices = #map}, {transform_indices = #map1}]} {
    %mul3A = arith.constant 16 : i32
    %mul3A_0 = arith.muli %arg0, %mul3A : i32
    %add3A = arith.addi %mul3A_0, %arg1 : i32
    %mul3A_1 = arith.constant 632 : i32
    %mul3A_2 = arith.muli %arg1, %mul3A_1 : i32
    "tpu.region"() ({
      %run_scoped3A = tpu.sem_alloc : memref<!tpu.dma_semaphore, #tpu.memory_space<semaphore_mem>>
      %dma_start3A = arith.constant 0 : i32
      %dma_start3A_14 = tpu.memref_slice %arg7[%mul3A_2, %dma_start3A] : memref<10112x16xf32, #tpu.memory_space<vmem_shared>> -> memref<632x16xf32, #tpu.memory_space<vmem_shared>>
      tpu.enqueue_dma source(%arg5 : memref<632x16xf32, #tpu.memory_space<hbm>>) target(%dma_start3A_14 : memref<632x16xf32, #tpu.memory_space<vmem_shared>>) target_semaphore(%run_scoped3A : memref<!tpu.dma_semaphore, #tpu.memory_space<semaphore_mem>>)
      %dma_wait3A = arith.constant 0 : i32
      %dma_wait3A_15 = tpu.memref_slice %arg7[%mul3A_2, %dma_wait3A] : memref<10112x16xf32, #tpu.memory_space<vmem_shared>> -> memref<632x16xf32, #tpu.memory_space<vmem_shared>>
      tpu.wait_dma2 semaphore(%run_scoped3A : memref<!tpu.dma_semaphore, #tpu.memory_space<semaphore_mem>>) src(%arg5 : memref<632x16xf32, #tpu.memory_space<hbm>>) dst(%dma_wait3A_15 : memref<632x16xf32, #tpu.memory_space<vmem_shared>>)
      tpu.yield
    }) : () -> ()
    %barrier3A = arith.constant 0 : index
    tpu.barrier barrier_id(%barrier3A)
    %mul3A_3 = arith.constant 40 : i32
    %mul3A_4 = arith.muli %add3A, %mul3A_3 : i32
    %scan3A = arith.constant 0 : i32
    %scan3A_5 = arith.constant 5 : i32
    %scan3A_6 = arith.addi %scan3A, %scan3A_5 : i32
    %scan3A_7 = arith.constant 1 : i32
    scf.for %scan3A_14 = %scan3A to %scan3A_6 step %scan3A_7  : i32 {
      %mul3A_15 = arith.constant 1 : i32
      %mul3A_16 = arith.muli %scan3A_14, %mul3A_15 : i32
      %add3A_17 = arith.constant 0 : i32
      %add3A_18 = arith.addi %add3A_17, %mul3A_16 : i32
      %mul3A_19 = arith.constant 8 : i32
      %mul3A_20 = arith.muli %add3A_18, %mul3A_19 : i32
      %add3A_21 = arith.addi %mul3A_4, %mul3A_20 : i32
      "tpu.region"() ({
        %run_scoped3A_37 = tpu.sem_alloc : memref<!tpu.dma_semaphore, #tpu.memory_space<semaphore_mem>>
        %dma_start3A = arith.constant 0 : i32
        %dma_start3A_38 = tpu.memref_slice %arg3[%add3A_21, %dma_start3A] : memref<1280x128xi32, #tpu.memory_space<hbm>> -> memref<8x128xi32, #tpu.memory_space<hbm>>
        %dma_start3A_39 = arith.constant 0 : i32
        %dma_start3A_40 = tpu.memref_slice %arg3[%add3A_21, %dma_start3A_39] : memref<1280x128xi32, #tpu.memory_space<hbm>> -> memref<8x128xi32, #tpu.memory_space<hbm>>
        tpu.enqueue_dma source(%dma_start3A_40 : memref<8x128xi32, #tpu.memory_space<hbm>>) target(%arg8 : memref<8x128xi32, #tpu.memory_space<vmem>>) target_semaphore(%run_scoped3A_37 : memref<!tpu.dma_semaphore, #tpu.memory_space<semaphore_mem>>)
        %dma_wait3A = arith.constant 0 : i32
        %dma_wait3A_41 = tpu.memref_slice %arg3[%add3A_21, %dma_wait3A] : memref<1280x128xi32, #tpu.memory_space<hbm>> -> memref<8x128xi32, #tpu.memory_space<hbm>>
        %dma_wait3A_42 = arith.constant 0 : i32
        %dma_wait3A_43 = tpu.memref_slice %arg3[%add3A_21, %dma_wait3A_42] : memref<1280x128xi32, #tpu.memory_space<hbm>> -> memref<8x128xi32, #tpu.memory_space<hbm>>
        tpu.wait_dma2 semaphore(%run_scoped3A_37 : memref<!tpu.dma_semaphore, #tpu.memory_space<semaphore_mem>>) src(%dma_wait3A_43 : memref<8x128xi32, #tpu.memory_space<hbm>>) dst(%arg8 : memref<8x128xi32, #tpu.memory_space<vmem>>)
        tpu.yield
      }) : () -> ()
      "tpu.region"() ({
        %run_scoped3A_37 = tpu.sem_alloc : memref<!tpu.dma_semaphore, #tpu.memory_space<semaphore_mem>>
        %dma_start3A = arith.constant 0 : i32
        %dma_start3A_38 = tpu.memref_slice %arg4[%add3A_21, %dma_start3A] : memref<1280x128xi32, #tpu.memory_space<hbm>> -> memref<8x128xi32, #tpu.memory_space<hbm>>
        %dma_start3A_39 = arith.constant 0 : i32
        %dma_start3A_40 = tpu.memref_slice %arg4[%add3A_21, %dma_start3A_39] : memref<1280x128xi32, #tpu.memory_space<hbm>> -> memref<8x128xi32, #tpu.memory_space<hbm>>
        tpu.enqueue_dma source(%dma_start3A_40 : memref<8x128xi32, #tpu.memory_space<hbm>>) target(%arg9 : memref<8x128xi32, #tpu.memory_space<vmem>>) target_semaphore(%run_scoped3A_37 : memref<!tpu.dma_semaphore, #tpu.memory_space<semaphore_mem>>)
        %dma_wait3A = arith.constant 0 : i32
        %dma_wait3A_41 = tpu.memref_slice %arg4[%add3A_21, %dma_wait3A] : memref<1280x128xi32, #tpu.memory_space<hbm>> -> memref<8x128xi32, #tpu.memory_space<hbm>>
        %dma_wait3A_42 = arith.constant 0 : i32
        %dma_wait3A_43 = tpu.memref_slice %arg4[%add3A_21, %dma_wait3A_42] : memref<1280x128xi32, #tpu.memory_space<hbm>> -> memref<8x128xi32, #tpu.memory_space<hbm>>
        tpu.wait_dma2 semaphore(%run_scoped3A_37 : memref<!tpu.dma_semaphore, #tpu.memory_space<semaphore_mem>>) src(%dma_wait3A_43 : memref<8x128xi32, #tpu.memory_space<hbm>>) dst(%arg9 : memref<8x128xi32, #tpu.memory_space<vmem>>)
        tpu.yield
      }) : () -> ()
      %run_scoped3A = arith.constant 0 : i32
      "tpu.region"() ({
        %run_scoped3A_37 = tpu.sem_alloc : memref<!tpu.dma_semaphore, #tpu.memory_space<semaphore_mem>>
        %dma_start3A = arith.constant 0 : i32
        %dma_start3A_38 = tpu.memref_slice %arg8[%run_scoped3A, %dma_start3A] : memref<8x128xi32, #tpu.memory_space<vmem>> -> memref<1x128xi32, #tpu.memory_space<vmem>>
        %dma_start3A_39 = tpu.memref_squeeze %dma_start3A_38 : memref<1x128xi32, #tpu.memory_space<vmem>> -> memref<128xi32, #tpu.memory_space<vmem>>
        %dma_start3A_40 = arith.constant 0 : i32
        %dma_start3A_41 = arith.constant 0 : i32
        %dma_start3A_42 = tpu.memref_slice %arg2[%dma_start3A_40, %dma_start3A_41] : memref<10000x16xf32, #tpu.memory_space<hbm>> -> memref<10000x16xf32, #tpu.memory_space<hbm>>
        tpu.enqueue_indirect_dma source(%dma_start3A_42 : memref<10000x16xf32, #tpu.memory_space<hbm>>) target(%arg10 : memref<128x16xf32, #tpu.memory_space<vmem>>) offsets(%dma_start3A_39 : memref<128xi32, #tpu.memory_space<vmem>>) semaphore(%run_scoped3A_37 : memref<!tpu.dma_semaphore, #tpu.memory_space<semaphore_mem>>)
        %dma_wait3A = arith.constant 0 : i32
        %dma_wait3A_43 = tpu.memref_slice %arg8[%run_scoped3A, %dma_wait3A] : memref<8x128xi32, #tpu.memory_space<vmem>> -> memref<1x128xi32, #tpu.memory_space<vmem>>
        %dma_wait3A_44 = tpu.memref_squeeze %dma_wait3A_43 : memref<1x128xi32, #tpu.memory_space<vmem>> -> memref<128xi32, #tpu.memory_space<vmem>>
        %dma_wait3A_45 = arith.constant 0 : i32
        %dma_wait3A_46 = arith.constant 0 : i32
        %dma_wait3A_47 = tpu.memref_slice %arg2[%dma_wait3A_45, %dma_wait3A_46] : memref<10000x16xf32, #tpu.memory_space<hbm>> -> memref<10000x16xf32, #tpu.memory_space<hbm>>
        tpu.wait_indirect_dma semaphore(%run_scoped3A_37 : memref<!tpu.dma_semaphore, #tpu.memory_space<semaphore_mem>>) src(%dma_wait3A_47 : memref<10000x16xf32, #tpu.memory_space<hbm>>) dst(%arg10 : memref<128x16xf32, #tpu.memory_space<vmem>>)
        tpu.yield
      }) : () -> ()
      %run_scoped3A_22 = arith.constant 0 : i32
      "tpu.region"() ({
        %run_scoped3A_37 = tpu.sem_alloc : memref<!tpu.dma_semaphore, #tpu.memory_space<semaphore_mem>>
        %dma_start3A = arith.constant 0 : i32
        %dma_start3A_38 = tpu.memref_slice %arg9[%run_scoped3A_22, %dma_start3A] : memref<8x128xi32, #tpu.memory_space<vmem>> -> memref<1x128xi32, #tpu.memory_space<vmem>>
        %dma_start3A_39 = tpu.memref_squeeze %dma_start3A_38 : memref<1x128xi32, #tpu.memory_space<vmem>> -> memref<128xi32, #tpu.memory_space<vmem>>
        %dma_start3A_40 = arith.constant 0 : i32
        %dma_start3A_41 = arith.constant 0 : i32
        %dma_start3A_42 = tpu.memref_slice %arg7[%dma_start3A_40, %dma_start3A_41] : memref<10112x16xf32, #tpu.memory_space<vmem_shared>> -> memref<10112x16xf32, #tpu.memory_space<vmem_shared>>
        tpu.enqueue_indirect_dma source(%arg10 : memref<128x16xf32, #tpu.memory_space<vmem>>) target(%dma_start3A_42 : memref<10112x16xf32, #tpu.memory_space<vmem_shared>>) offsets(%dma_start3A_39 : memref<128xi32, #tpu.memory_space<vmem>>) semaphore(%run_scoped3A_37 : memref<!tpu.dma_semaphore, #tpu.memory_space<semaphore_mem>>) {add = true}
        %dma_wait3A = arith.constant 0 : i32
        %dma_wait3A_43 = tpu.memref_slice %arg9[%run_scoped3A_22, %dma_wait3A] : memref<8x128xi32, #tpu.memory_space<vmem>> -> memref<1x128xi32, #tpu.memory_space<vmem>>
        %dma_wait3A_44 = tpu.memref_squeeze %dma_wait3A_43 : memref<1x128xi32, #tpu.memory_space<vmem>> -> memref<128xi32, #tpu.memory_space<vmem>>
        %dma_wait3A_45 = arith.constant 0 : i32
        %dma_wait3A_46 = arith.constant 0 : i32
        %dma_wait3A_47 = tpu.memref_slice %arg7[%dma_wait3A_45, %dma_wait3A_46] : memref<10112x16xf32, #tpu.memory_space<vmem_shared>> -> memref<10112x16xf32, #tpu.memory_space<vmem_shared>>
        tpu.wait_indirect_dma semaphore(%run_scoped3A_37 : memref<!tpu.dma_semaphore, #tpu.memory_space<semaphore_mem>>) src(%arg10 : memref<128x16xf32, #tpu.memory_space<vmem>>) dst(%dma_wait3A_47 : memref<10112x16xf32, #tpu.memory_space<vmem_shared>>)
        tpu.yield
      }) : () -> ()
      %run_scoped3A_23 = arith.constant 1 : i32
      "tpu.region"() ({
        %run_scoped3A_37 = tpu.sem_alloc : memref<!tpu.dma_semaphore, #tpu.memory_space<semaphore_mem>>
        %dma_start3A = arith.constant 0 : i32
        %dma_start3A_38 = tpu.memref_slice %arg8[%run_scoped3A_23, %dma_start3A] : memref<8x128xi32, #tpu.memory_space<vmem>> -> memref<1x128xi32, #tpu.memory_space<vmem>>
        %dma_start3A_39 = tpu.memref_squeeze %dma_start3A_38 : memref<1x128xi32, #tpu.memory_space<vmem>> -> memref<128xi32, #tpu.memory_space<vmem>>
        %dma_start3A_40 = arith.constant 0 : i32
        %dma_start3A_41 = arith.constant 0 : i32
        %dma_start3A_42 = tpu.memref_slice %arg2[%dma_start3A_40, %dma_start3A_41] : memref<10000x16xf32, #tpu.memory_space<hbm>> -> memref<10000x16xf32, #tpu.memory_space<hbm>>
        tpu.enqueue_indirect_dma source(%dma_start3A_42 : memref<10000x16xf32, #tpu.memory_space<hbm>>) target(%arg10 : memref<128x16xf32, #tpu.memory_space<vmem>>) offsets(%dma_start3A_39 : memref<128xi32, #tpu.memory_space<vmem>>) semaphore(%run_scoped3A_37 : memref<!tpu.dma_semaphore, #tpu.memory_space<semaphore_mem>>)
        %dma_wait3A = arith.constant 0 : i32
        %dma_wait3A_43 = tpu.memref_slice %arg8[%run_scoped3A_23, %dma_wait3A] : memref<8x128xi32, #tpu.memory_space<vmem>> -> memref<1x128xi32, #tpu.memory_space<vmem>>
        %dma_wait3A_44 = tpu.memref_squeeze %dma_wait3A_43 : memref<1x128xi32, #tpu.memory_space<vmem>> -> memref<128xi32, #tpu.memory_space<vmem>>
        %dma_wait3A_45 = arith.constant 0 : i32
        %dma_wait3A_46 = arith.constant 0 : i32
        %dma_wait3A_47 = tpu.memref_slice %arg2[%dma_wait3A_45, %dma_wait3A_46] : memref<10000x16xf32, #tpu.memory_space<hbm>> -> memref<10000x16xf32, #tpu.memory_space<hbm>>
        tpu.wait_indirect_dma semaphore(%run_scoped3A_37 : memref<!tpu.dma_semaphore, #tpu.memory_space<semaphore_mem>>) src(%dma_wait3A_47 : memref<10000x16xf32, #tpu.memory_space<hbm>>) dst(%arg10 : memref<128x16xf32, #tpu.memory_space<vmem>>)
        tpu.yield
      }) : () -> ()
      %run_scoped3A_24 = arith.constant 1 : i32
      "tpu.region"() ({
        %run_scoped3A_37 = tpu.sem_alloc : memref<!tpu.dma_semaphore, #tpu.memory_space<semaphore_mem>>
        %dma_start3A = arith.constant 0 : i32
        %dma_start3A_38 = tpu.memref_slice %arg9[%run_scoped3A_24, %dma_start3A] : memref<8x128xi32, #tpu.memory_space<vmem>> -> memref<1x128xi32, #tpu.memory_space<vmem>>
        %dma_start3A_39 = tpu.memref_squeeze %dma_start3A_38 : memref<1x128xi32, #tpu.memory_space<vmem>> -> memref<128xi32, #tpu.memory_space<vmem>>
        %dma_start3A_40 = arith.constant 0 : i32
        %dma_start3A_41 = arith.constant 0 : i32
        %dma_start3A_42 = tpu.memref_slice %arg7[%dma_start3A_40, %dma_start3A_41] : memref<10112x16xf32, #tpu.memory_space<vmem_shared>> -> memref<10112x16xf32, #tpu.memory_space<vmem_shared>>
        tpu.enqueue_indirect_dma source(%arg10 : memref<128x16xf32, #tpu.memory_space<vmem>>) target(%dma_start3A_42 : memref<10112x16xf32, #tpu.memory_space<vmem_shared>>) offsets(%dma_start3A_39 : memref<128xi32, #tpu.memory_space<vmem>>) semaphore(%run_scoped3A_37 : memref<!tpu.dma_semaphore, #tpu.memory_space<semaphore_mem>>) {add = true}
        %dma_wait3A = arith.constant 0 : i32
        %dma_wait3A_43 = tpu.memref_slice %arg9[%run_scoped3A_24, %dma_wait3A] : memref<8x128xi32, #tpu.memory_space<vmem>> -> memref<1x128xi32, #tpu.memory_space<vmem>>
        %dma_wait3A_44 = tpu.memref_squeeze %dma_wait3A_43 : memref<1x128xi32, #tpu.memory_space<vmem>> -> memref<128xi32, #tpu.memory_space<vmem>>
        %dma_wait3A_45 = arith.constant 0 : i32
        %dma_wait3A_46 = arith.constant 0 : i32
        %dma_wait3A_47 = tpu.memref_slice %arg7[%dma_wait3A_45, %dma_wait3A_46] : memref<10112x16xf32, #tpu.memory_space<vmem_shared>> -> memref<10112x16xf32, #tpu.memory_space<vmem_shared>>
        tpu.wait_indirect_dma semaphore(%run_scoped3A_37 : memref<!tpu.dma_semaphore, #tpu.memory_space<semaphore_mem>>) src(%arg10 : memref<128x16xf32, #tpu.memory_space<vmem>>) dst(%dma_wait3A_47 : memref<10112x16xf32, #tpu.memory_space<vmem_shared>>)
        tpu.yield
      }) : () -> ()
      %run_scoped3A_25 = arith.constant 2 : i32
      "tpu.region"() ({
        %run_scoped3A_37 = tpu.sem_alloc : memref<!tpu.dma_semaphore, #tpu.memory_space<semaphore_mem>>
        %dma_start3A = arith.constant 0 : i32
        %dma_start3A_38 = tpu.memref_slice %arg8[%run_scoped3A_25, %dma_start3A] : memref<8x128xi32, #tpu.memory_space<vmem>> -> memref<1x128xi32, #tpu.memory_space<vmem>>
        %dma_start3A_39 = tpu.memref_squeeze %dma_start3A_38 : memref<1x128xi32, #tpu.memory_space<vmem>> -> memref<128xi32, #tpu.memory_space<vmem>>
        %dma_start3A_40 = arith.constant 0 : i32
        %dma_start3A_41 = arith.constant 0 : i32
        %dma_start3A_42 = tpu.memref_slice %arg2[%dma_start3A_40, %dma_start3A_41] : memref<10000x16xf32, #tpu.memory_space<hbm>> -> memref<10000x16xf32, #tpu.memory_space<hbm>>
        tpu.enqueue_indirect_dma source(%dma_start3A_42 : memref<10000x16xf32, #tpu.memory_space<hbm>>) target(%arg10 : memref<128x16xf32, #tpu.memory_space<vmem>>) offsets(%dma_start3A_39 : memref<128xi32, #tpu.memory_space<vmem>>) semaphore(%run_scoped3A_37 : memref<!tpu.dma_semaphore, #tpu.memory_space<semaphore_mem>>)
        %dma_wait3A = arith.constant 0 : i32
        %dma_wait3A_43 = tpu.memref_slice %arg8[%run_scoped3A_25, %dma_wait3A] : memref<8x128xi32, #tpu.memory_space<vmem>> -> memref<1x128xi32, #tpu.memory_space<vmem>>
        %dma_wait3A_44 = tpu.memref_squeeze %dma_wait3A_43 : memref<1x128xi32, #tpu.memory_space<vmem>> -> memref<128xi32, #tpu.memory_space<vmem>>
        %dma_wait3A_45 = arith.constant 0 : i32
        %dma_wait3A_46 = arith.constant 0 : i32
        %dma_wait3A_47 = tpu.memref_slice %arg2[%dma_wait3A_45, %dma_wait3A_46] : memref<10000x16xf32, #tpu.memory_space<hbm>> -> memref<10000x16xf32, #tpu.memory_space<hbm>>
        tpu.wait_indirect_dma semaphore(%run_scoped3A_37 : memref<!tpu.dma_semaphore, #tpu.memory_space<semaphore_mem>>) src(%dma_wait3A_47 : memref<10000x16xf32, #tpu.memory_space<hbm>>) dst(%arg10 : memref<128x16xf32, #tpu.memory_space<vmem>>)
        tpu.yield
      }) : () -> ()
      %run_scoped3A_26 = arith.constant 2 : i32
      "tpu.region"() ({
        %run_scoped3A_37 = tpu.sem_alloc : memref<!tpu.dma_semaphore, #tpu.memory_space<semaphore_mem>>
        %dma_start3A = arith.constant 0 : i32
        %dma_start3A_38 = tpu.memref_slice %arg9[%run_scoped3A_26, %dma_start3A] : memref<8x128xi32, #tpu.memory_space<vmem>> -> memref<1x128xi32, #tpu.memory_space<vmem>>
        %dma_start3A_39 = tpu.memref_squeeze %dma_start3A_38 : memref<1x128xi32, #tpu.memory_space<vmem>> -> memref<128xi32, #tpu.memory_space<vmem>>
        %dma_start3A_40 = arith.constant 0 : i32
        %dma_start3A_41 = arith.constant 0 : i32
        %dma_start3A_42 = tpu.memref_slice %arg7[%dma_start3A_40, %dma_start3A_41] : memref<10112x16xf32, #tpu.memory_space<vmem_shared>> -> memref<10112x16xf32, #tpu.memory_space<vmem_shared>>
        tpu.enqueue_indirect_dma source(%arg10 : memref<128x16xf32, #tpu.memory_space<vmem>>) target(%dma_start3A_42 : memref<10112x16xf32, #tpu.memory_space<vmem_shared>>) offsets(%dma_start3A_39 : memref<128xi32, #tpu.memory_space<vmem>>) semaphore(%run_scoped3A_37 : memref<!tpu.dma_semaphore, #tpu.memory_space<semaphore_mem>>) {add = true}
        %dma_wait3A = arith.constant 0 : i32
        %dma_wait3A_43 = tpu.memref_slice %arg9[%run_scoped3A_26, %dma_wait3A] : memref<8x128xi32, #tpu.memory_space<vmem>> -> memref<1x128xi32, #tpu.memory_space<vmem>>
        %dma_wait3A_44 = tpu.memref_squeeze %dma_wait3A_43 : memref<1x128xi32, #tpu.memory_space<vmem>> -> memref<128xi32, #tpu.memory_space<vmem>>
        %dma_wait3A_45 = arith.constant 0 : i32
        %dma_wait3A_46 = arith.constant 0 : i32
        %dma_wait3A_47 = tpu.memref_slice %arg7[%dma_wait3A_45, %dma_wait3A_46] : memref<10112x16xf32, #tpu.memory_space<vmem_shared>> -> memref<10112x16xf32, #tpu.memory_space<vmem_shared>>
        tpu.wait_indirect_dma semaphore(%run_scoped3A_37 : memref<!tpu.dma_semaphore, #tpu.memory_space<semaphore_mem>>) src(%arg10 : memref<128x16xf32, #tpu.memory_space<vmem>>) dst(%dma_wait3A_47 : memref<10112x16xf32, #tpu.memory_space<vmem_shared>>)
        tpu.yield
      }) : () -> ()
      %run_scoped3A_27 = arith.constant 3 : i32
      "tpu.region"() ({
        %run_scoped3A_37 = tpu.sem_alloc : memref<!tpu.dma_semaphore, #tpu.memory_space<semaphore_mem>>
        %dma_start3A = arith.constant 0 : i32
        %dma_start3A_38 = tpu.memref_slice %arg8[%run_scoped3A_27, %dma_start3A] : memref<8x128xi32, #tpu.memory_space<vmem>> -> memref<1x128xi32, #tpu.memory_space<vmem>>
        %dma_start3A_39 = tpu.memref_squeeze %dma_start3A_38 : memref<1x128xi32, #tpu.memory_space<vmem>> -> memref<128xi32, #tpu.memory_space<vmem>>
        %dma_start3A_40 = arith.constant 0 : i32
        %dma_start3A_41 = arith.constant 0 : i32
        %dma_start3A_42 = tpu.memref_slice %arg2[%dma_start3A_40, %dma_start3A_41] : memref<10000x16xf32, #tpu.memory_space<hbm>> -> memref<10000x16xf32, #tpu.memory_space<hbm>>
        tpu.enqueue_indirect_dma source(%dma_start3A_42 : memref<10000x16xf32, #tpu.memory_space<hbm>>) target(%arg10 : memref<128x16xf32, #tpu.memory_space<vmem>>) offsets(%dma_start3A_39 : memref<128xi32, #tpu.memory_space<vmem>>) semaphore(%run_scoped3A_37 : memref<!tpu.dma_semaphore, #tpu.memory_space<semaphore_mem>>)
        %dma_wait3A = arith.constant 0 : i32
        %dma_wait3A_43 = tpu.memref_slice %arg8[%run_scoped3A_27, %dma_wait3A] : memref<8x128xi32, #tpu.memory_space<vmem>> -> memref<1x128xi32, #tpu.memory_space<vmem>>
        %dma_wait3A_44 = tpu.memref_squeeze %dma_wait3A_43 : memref<1x128xi32, #tpu.memory_space<vmem>> -> memref<128xi32, #tpu.memory_space<vmem>>
        %dma_wait3A_45 = arith.constant 0 : i32
        %dma_wait3A_46 = arith.constant 0 : i32
        %dma_wait3A_47 = tpu.memref_slice %arg2[%dma_wait3A_45, %dma_wait3A_46] : memref<10000x16xf32, #tpu.memory_space<hbm>> -> memref<10000x16xf32, #tpu.memory_space<hbm>>
        tpu.wait_indirect_dma semaphore(%run_scoped3A_37 : memref<!tpu.dma_semaphore, #tpu.memory_space<semaphore_mem>>) src(%dma_wait3A_47 : memref<10000x16xf32, #tpu.memory_space<hbm>>) dst(%arg10 : memref<128x16xf32, #tpu.memory_space<vmem>>)
        tpu.yield
      }) : () -> ()
      %run_scoped3A_28 = arith.constant 3 : i32
      "tpu.region"() ({
        %run_scoped3A_37 = tpu.sem_alloc : memref<!tpu.dma_semaphore, #tpu.memory_space<semaphore_mem>>
        %dma_start3A = arith.constant 0 : i32
        %dma_start3A_38 = tpu.memref_slice %arg9[%run_scoped3A_28, %dma_start3A] : memref<8x128xi32, #tpu.memory_space<vmem>> -> memref<1x128xi32, #tpu.memory_space<vmem>>
        %dma_start3A_39 = tpu.memref_squeeze %dma_start3A_38 : memref<1x128xi32, #tpu.memory_space<vmem>> -> memref<128xi32, #tpu.memory_space<vmem>>
        %dma_start3A_40 = arith.constant 0 : i32
        %dma_start3A_41 = arith.constant 0 : i32
        %dma_start3A_42 = tpu.memref_slice %arg7[%dma_start3A_40, %dma_start3A_41] : memref<10112x16xf32, #tpu.memory_space<vmem_shared>> -> memref<10112x16xf32, #tpu.memory_space<vmem_shared>>
        tpu.enqueue_indirect_dma source(%arg10 : memref<128x16xf32, #tpu.memory_space<vmem>>) target(%dma_start3A_42 : memref<10112x16xf32, #tpu.memory_space<vmem_shared>>) offsets(%dma_start3A_39 : memref<128xi32, #tpu.memory_space<vmem>>) semaphore(%run_scoped3A_37 : memref<!tpu.dma_semaphore, #tpu.memory_space<semaphore_mem>>) {add = true}
        %dma_wait3A = arith.constant 0 : i32
        %dma_wait3A_43 = tpu.memref_slice %arg9[%run_scoped3A_28, %dma_wait3A] : memref<8x128xi32, #tpu.memory_space<vmem>> -> memref<1x128xi32, #tpu.memory_space<vmem>>
        %dma_wait3A_44 = tpu.memref_squeeze %dma_wait3A_43 : memref<1x128xi32, #tpu.memory_space<vmem>> -> memref<128xi32, #tpu.memory_space<vmem>>
        %dma_wait3A_45 = arith.constant 0 : i32
        %dma_wait3A_46 = arith.constant 0 : i32
        %dma_wait3A_47 = tpu.memref_slice %arg7[%dma_wait3A_45, %dma_wait3A_46] : memref<10112x16xf32, #tpu.memory_space<vmem_shared>> -> memref<10112x16xf32, #tpu.memory_space<vmem_shared>>
        tpu.wait_indirect_dma semaphore(%run_scoped3A_37 : memref<!tpu.dma_semaphore, #tpu.memory_space<semaphore_mem>>) src(%arg10 : memref<128x16xf32, #tpu.memory_space<vmem>>) dst(%dma_wait3A_47 : memref<10112x16xf32, #tpu.memory_space<vmem_shared>>)
        tpu.yield
      }) : () -> ()
      %run_scoped3A_29 = arith.constant 4 : i32
      "tpu.region"() ({
        %run_scoped3A_37 = tpu.sem_alloc : memref<!tpu.dma_semaphore, #tpu.memory_space<semaphore_mem>>
        %dma_start3A = arith.constant 0 : i32
        %dma_start3A_38 = tpu.memref_slice %arg8[%run_scoped3A_29, %dma_start3A] : memref<8x128xi32, #tpu.memory_space<vmem>> -> memref<1x128xi32, #tpu.memory_space<vmem>>
        %dma_start3A_39 = tpu.memref_squeeze %dma_start3A_38 : memref<1x128xi32, #tpu.memory_space<vmem>> -> memref<128xi32, #tpu.memory_space<vmem>>
        %dma_start3A_40 = arith.constant 0 : i32
        %dma_start3A_41 = arith.constant 0 : i32
        %dma_start3A_42 = tpu.memref_slice %arg2[%dma_start3A_40, %dma_start3A_41] : memref<10000x16xf32, #tpu.memory_space<hbm>> -> memref<10000x16xf32, #tpu.memory_space<hbm>>
        tpu.enqueue_indirect_dma source(%dma_start3A_42 : memref<10000x16xf32, #tpu.memory_space<hbm>>) target(%arg10 : memref<128x16xf32, #tpu.memory_space<vmem>>) offsets(%dma_start3A_39 : memref<128xi32, #tpu.memory_space<vmem>>) semaphore(%run_scoped3A_37 : memref<!tpu.dma_semaphore, #tpu.memory_space<semaphore_mem>>)
        %dma_wait3A = arith.constant 0 : i32
        %dma_wait3A_43 = tpu.memref_slice %arg8[%run_scoped3A_29, %dma_wait3A] : memref<8x128xi32, #tpu.memory_space<vmem>> -> memref<1x128xi32, #tpu.memory_space<vmem>>
        %dma_wait3A_44 = tpu.memref_squeeze %dma_wait3A_43 : memref<1x128xi32, #tpu.memory_space<vmem>> -> memref<128xi32, #tpu.memory_space<vmem>>
        %dma_wait3A_45 = arith.constant 0 : i32
        %dma_wait3A_46 = arith.constant 0 : i32
        %dma_wait3A_47 = tpu.memref_slice %arg2[%dma_wait3A_45, %dma_wait3A_46] : memref<10000x16xf32, #tpu.memory_space<hbm>> -> memref<10000x16xf32, #tpu.memory_space<hbm>>
        tpu.wait_indirect_dma semaphore(%run_scoped3A_37 : memref<!tpu.dma_semaphore, #tpu.memory_space<semaphore_mem>>) src(%dma_wait3A_47 : memref<10000x16xf32, #tpu.memory_space<hbm>>) dst(%arg10 : memref<128x16xf32, #tpu.memory_space<vmem>>)
        tpu.yield
      }) : () -> ()
      %run_scoped3A_30 = arith.constant 4 : i32
      "tpu.region"() ({
        %run_scoped3A_37 = tpu.sem_alloc : memref<!tpu.dma_semaphore, #tpu.memory_space<semaphore_mem>>
        %dma_start3A = arith.constant 0 : i32
        %dma_start3A_38 = tpu.memref_slice %arg9[%run_scoped3A_30, %dma_start3A] : memref<8x128xi32, #tpu.memory_space<vmem>> -> memref<1x128xi32, #tpu.memory_space<vmem>>
        %dma_start3A_39 = tpu.memref_squeeze %dma_start3A_38 : memref<1x128xi32, #tpu.memory_space<vmem>> -> memref<128xi32, #tpu.memory_space<vmem>>
        %dma_start3A_40 = arith.constant 0 : i32
        %dma_start3A_41 = arith.constant 0 : i32
        %dma_start3A_42 = tpu.memref_slice %arg7[%dma_start3A_40, %dma_start3A_41] : memref<10112x16xf32, #tpu.memory_space<vmem_shared>> -> memref<10112x16xf32, #tpu.memory_space<vmem_shared>>
        tpu.enqueue_indirect_dma source(%arg10 : memref<128x16xf32, #tpu.memory_space<vmem>>) target(%dma_start3A_42 : memref<10112x16xf32, #tpu.memory_space<vmem_shared>>) offsets(%dma_start3A_39 : memref<128xi32, #tpu.memory_space<vmem>>) semaphore(%run_scoped3A_37 : memref<!tpu.dma_semaphore, #tpu.memory_space<semaphore_mem>>) {add = true}
        %dma_wait3A = arith.constant 0 : i32
        %dma_wait3A_43 = tpu.memref_slice %arg9[%run_scoped3A_30, %dma_wait3A] : memref<8x128xi32, #tpu.memory_space<vmem>> -> memref<1x128xi32, #tpu.memory_space<vmem>>
        %dma_wait3A_44 = tpu.memref_squeeze %dma_wait3A_43 : memref<1x128xi32, #tpu.memory_space<vmem>> -> memref<128xi32, #tpu.memory_space<vmem>>
        %dma_wait3A_45 = arith.constant 0 : i32
        %dma_wait3A_46 = arith.constant 0 : i32
        %dma_wait3A_47 = tpu.memref_slice %arg7[%dma_wait3A_45, %dma_wait3A_46] : memref<10112x16xf32, #tpu.memory_space<vmem_shared>> -> memref<10112x16xf32, #tpu.memory_space<vmem_shared>>
        tpu.wait_indirect_dma semaphore(%run_scoped3A_37 : memref<!tpu.dma_semaphore, #tpu.memory_space<semaphore_mem>>) src(%arg10 : memref<128x16xf32, #tpu.memory_space<vmem>>) dst(%dma_wait3A_47 : memref<10112x16xf32, #tpu.memory_space<vmem_shared>>)
        tpu.yield
      }) : () -> ()
      %run_scoped3A_31 = arith.constant 5 : i32
      "tpu.region"() ({
        %run_scoped3A_37 = tpu.sem_alloc : memref<!tpu.dma_semaphore, #tpu.memory_space<semaphore_mem>>
        %dma_start3A = arith.constant 0 : i32
        %dma_start3A_38 = tpu.memref_slice %arg8[%run_scoped3A_31, %dma_start3A] : memref<8x128xi32, #tpu.memory_space<vmem>> -> memref<1x128xi32, #tpu.memory_space<vmem>>
        %dma_start3A_39 = tpu.memref_squeeze %dma_start3A_38 : memref<1x128xi32, #tpu.memory_space<vmem>> -> memref<128xi32, #tpu.memory_space<vmem>>
        %dma_start3A_40 = arith.constant 0 : i32
        %dma_start3A_41 = arith.constant 0 : i32
        %dma_start3A_42 = tpu.memref_slice %arg2[%dma_start3A_40, %dma_start3A_41] : memref<10000x16xf32, #tpu.memory_space<hbm>> -> memref<10000x16xf32, #tpu.memory_space<hbm>>
        tpu.enqueue_indirect_dma source(%dma_start3A_42 : memref<10000x16xf32, #tpu.memory_space<hbm>>) target(%arg10 : memref<128x16xf32, #tpu.memory_space<vmem>>) offsets(%dma_start3A_39 : memref<128xi32, #tpu.memory_space<vmem>>) semaphore(%run_scoped3A_37 : memref<!tpu.dma_semaphore, #tpu.memory_space<semaphore_mem>>)
        %dma_wait3A = arith.constant 0 : i32
        %dma_wait3A_43 = tpu.memref_slice %arg8[%run_scoped3A_31, %dma_wait3A] : memref<8x128xi32, #tpu.memory_space<vmem>> -> memref<1x128xi32, #tpu.memory_space<vmem>>
        %dma_wait3A_44 = tpu.memref_squeeze %dma_wait3A_43 : memref<1x128xi32, #tpu.memory_space<vmem>> -> memref<128xi32, #tpu.memory_space<vmem>>
        %dma_wait3A_45 = arith.constant 0 : i32
        %dma_wait3A_46 = arith.constant 0 : i32
        %dma_wait3A_47 = tpu.memref_slice %arg2[%dma_wait3A_45, %dma_wait3A_46] : memref<10000x16xf32, #tpu.memory_space<hbm>> -> memref<10000x16xf32, #tpu.memory_space<hbm>>
        tpu.wait_indirect_dma semaphore(%run_scoped3A_37 : memref<!tpu.dma_semaphore, #tpu.memory_space<semaphore_mem>>) src(%dma_wait3A_47 : memref<10000x16xf32, #tpu.memory_space<hbm>>) dst(%arg10 : memref<128x16xf32, #tpu.memory_space<vmem>>)
        tpu.yield
      }) : () -> ()
      %run_scoped3A_32 = arith.constant 5 : i32
      "tpu.region"() ({
        %run_scoped3A_37 = tpu.sem_alloc : memref<!tpu.dma_semaphore, #tpu.memory_space<semaphore_mem>>
        %dma_start3A = arith.constant 0 : i32
        %dma_start3A_38 = tpu.memref_slice %arg9[%run_scoped3A_32, %dma_start3A] : memref<8x128xi32, #tpu.memory_space<vmem>> -> memref<1x128xi32, #tpu.memory_space<vmem>>
        %dma_start3A_39 = tpu.memref_squeeze %dma_start3A_38 : memref<1x128xi32, #tpu.memory_space<vmem>> -> memref<128xi32, #tpu.memory_space<vmem>>
        %dma_start3A_40 = arith.constant 0 : i32
        %dma_start3A_41 = arith.constant 0 : i32
        %dma_start3A_42 = tpu.memref_slice %arg7[%dma_start3A_40, %dma_start3A_41] : memref<10112x16xf32, #tpu.memory_space<vmem_shared>> -> memref<10112x16xf32, #tpu.memory_space<vmem_shared>>
        tpu.enqueue_indirect_dma source(%arg10 : memref<128x16xf32, #tpu.memory_space<vmem>>) target(%dma_start3A_42 : memref<10112x16xf32, #tpu.memory_space<vmem_shared>>) offsets(%dma_start3A_39 : memref<128xi32, #tpu.memory_space<vmem>>) semaphore(%run_scoped3A_37 : memref<!tpu.dma_semaphore, #tpu.memory_space<semaphore_mem>>) {add = true}
        %dma_wait3A = arith.constant 0 : i32
        %dma_wait3A_43 = tpu.memref_slice %arg9[%run_scoped3A_32, %dma_wait3A] : memref<8x128xi32, #tpu.memory_space<vmem>> -> memref<1x128xi32, #tpu.memory_space<vmem>>
        %dma_wait3A_44 = tpu.memref_squeeze %dma_wait3A_43 : memref<1x128xi32, #tpu.memory_space<vmem>> -> memref<128xi32, #tpu.memory_space<vmem>>
        %dma_wait3A_45 = arith.constant 0 : i32
        %dma_wait3A_46 = arith.constant 0 : i32
        %dma_wait3A_47 = tpu.memref_slice %arg7[%dma_wait3A_45, %dma_wait3A_46] : memref<10112x16xf32, #tpu.memory_space<vmem_shared>> -> memref<10112x16xf32, #tpu.memory_space<vmem_shared>>
        tpu.wait_indirect_dma semaphore(%run_scoped3A_37 : memref<!tpu.dma_semaphore, #tpu.memory_space<semaphore_mem>>) src(%arg10 : memref<128x16xf32, #tpu.memory_space<vmem>>) dst(%dma_wait3A_47 : memref<10112x16xf32, #tpu.memory_space<vmem_shared>>)
        tpu.yield
      }) : () -> ()
      %run_scoped3A_33 = arith.constant 6 : i32
      "tpu.region"() ({
        %run_scoped3A_37 = tpu.sem_alloc : memref<!tpu.dma_semaphore, #tpu.memory_space<semaphore_mem>>
        %dma_start3A = arith.constant 0 : i32
        %dma_start3A_38 = tpu.memref_slice %arg8[%run_scoped3A_33, %dma_start3A] : memref<8x128xi32, #tpu.memory_space<vmem>> -> memref<1x128xi32, #tpu.memory_space<vmem>>
        %dma_start3A_39 = tpu.memref_squeeze %dma_start3A_38 : memref<1x128xi32, #tpu.memory_space<vmem>> -> memref<128xi32, #tpu.memory_space<vmem>>
        %dma_start3A_40 = arith.constant 0 : i32
        %dma_start3A_41 = arith.constant 0 : i32
        %dma_start3A_42 = tpu.memref_slice %arg2[%dma_start3A_40, %dma_start3A_41] : memref<10000x16xf32, #tpu.memory_space<hbm>> -> memref<10000x16xf32, #tpu.memory_space<hbm>>
        tpu.enqueue_indirect_dma source(%dma_start3A_42 : memref<10000x16xf32, #tpu.memory_space<hbm>>) target(%arg10 : memref<128x16xf32, #tpu.memory_space<vmem>>) offsets(%dma_start3A_39 : memref<128xi32, #tpu.memory_space<vmem>>) semaphore(%run_scoped3A_37 : memref<!tpu.dma_semaphore, #tpu.memory_space<semaphore_mem>>)
        %dma_wait3A = arith.constant 0 : i32
        %dma_wait3A_43 = tpu.memref_slice %arg8[%run_scoped3A_33, %dma_wait3A] : memref<8x128xi32, #tpu.memory_space<vmem>> -> memref<1x128xi32, #tpu.memory_space<vmem>>
        %dma_wait3A_44 = tpu.memref_squeeze %dma_wait3A_43 : memref<1x128xi32, #tpu.memory_space<vmem>> -> memref<128xi32, #tpu.memory_space<vmem>>
        %dma_wait3A_45 = arith.constant 0 : i32
        %dma_wait3A_46 = arith.constant 0 : i32
        %dma_wait3A_47 = tpu.memref_slice %arg2[%dma_wait3A_45, %dma_wait3A_46] : memref<10000x16xf32, #tpu.memory_space<hbm>> -> memref<10000x16xf32, #tpu.memory_space<hbm>>
        tpu.wait_indirect_dma semaphore(%run_scoped3A_37 : memref<!tpu.dma_semaphore, #tpu.memory_space<semaphore_mem>>) src(%dma_wait3A_47 : memref<10000x16xf32, #tpu.memory_space<hbm>>) dst(%arg10 : memref<128x16xf32, #tpu.memory_space<vmem>>)
        tpu.yield
      }) : () -> ()
      %run_scoped3A_34 = arith.constant 6 : i32
      "tpu.region"() ({
        %run_scoped3A_37 = tpu.sem_alloc : memref<!tpu.dma_semaphore, #tpu.memory_space<semaphore_mem>>
        %dma_start3A = arith.constant 0 : i32
        %dma_start3A_38 = tpu.memref_slice %arg9[%run_scoped3A_34, %dma_start3A] : memref<8x128xi32, #tpu.memory_space<vmem>> -> memref<1x128xi32, #tpu.memory_space<vmem>>
        %dma_start3A_39 = tpu.memref_squeeze %dma_start3A_38 : memref<1x128xi32, #tpu.memory_space<vmem>> -> memref<128xi32, #tpu.memory_space<vmem>>
        %dma_start3A_40 = arith.constant 0 : i32
        %dma_start3A_41 = arith.constant 0 : i32
        %dma_start3A_42 = tpu.memref_slice %arg7[%dma_start3A_40, %dma_start3A_41] : memref<10112x16xf32, #tpu.memory_space<vmem_shared>> -> memref<10112x16xf32, #tpu.memory_space<vmem_shared>>
        tpu.enqueue_indirect_dma source(%arg10 : memref<128x16xf32, #tpu.memory_space<vmem>>) target(%dma_start3A_42 : memref<10112x16xf32, #tpu.memory_space<vmem_shared>>) offsets(%dma_start3A_39 : memref<128xi32, #tpu.memory_space<vmem>>) semaphore(%run_scoped3A_37 : memref<!tpu.dma_semaphore, #tpu.memory_space<semaphore_mem>>) {add = true}
        %dma_wait3A = arith.constant 0 : i32
        %dma_wait3A_43 = tpu.memref_slice %arg9[%run_scoped3A_34, %dma_wait3A] : memref<8x128xi32, #tpu.memory_space<vmem>> -> memref<1x128xi32, #tpu.memory_space<vmem>>
        %dma_wait3A_44 = tpu.memref_squeeze %dma_wait3A_43 : memref<1x128xi32, #tpu.memory_space<vmem>> -> memref<128xi32, #tpu.memory_space<vmem>>
        %dma_wait3A_45 = arith.constant 0 : i32
        %dma_wait3A_46 = arith.constant 0 : i32
        %dma_wait3A_47 = tpu.memref_slice %arg7[%dma_wait3A_45, %dma_wait3A_46] : memref<10112x16xf32, #tpu.memory_space<vmem_shared>> -> memref<10112x16xf32, #tpu.memory_space<vmem_shared>>
        tpu.wait_indirect_dma semaphore(%run_scoped3A_37 : memref<!tpu.dma_semaphore, #tpu.memory_space<semaphore_mem>>) src(%arg10 : memref<128x16xf32, #tpu.memory_space<vmem>>) dst(%dma_wait3A_47 : memref<10112x16xf32, #tpu.memory_space<vmem_shared>>)
        tpu.yield
      }) : () -> ()
      %run_scoped3A_35 = arith.constant 7 : i32
      "tpu.region"() ({
        %run_scoped3A_37 = tpu.sem_alloc : memref<!tpu.dma_semaphore, #tpu.memory_space<semaphore_mem>>
        %dma_start3A = arith.constant 0 : i32
        %dma_start3A_38 = tpu.memref_slice %arg8[%run_scoped3A_35, %dma_start3A] : memref<8x128xi32, #tpu.memory_space<vmem>> -> memref<1x128xi32, #tpu.memory_space<vmem>>
        %dma_start3A_39 = tpu.memref_squeeze %dma_start3A_38 : memref<1x128xi32, #tpu.memory_space<vmem>> -> memref<128xi32, #tpu.memory_space<vmem>>
        %dma_start3A_40 = arith.constant 0 : i32
        %dma_start3A_41 = arith.constant 0 : i32
        %dma_start3A_42 = tpu.memref_slice %arg2[%dma_start3A_40, %dma_start3A_41] : memref<10000x16xf32, #tpu.memory_space<hbm>> -> memref<10000x16xf32, #tpu.memory_space<hbm>>
        tpu.enqueue_indirect_dma source(%dma_start3A_42 : memref<10000x16xf32, #tpu.memory_space<hbm>>) target(%arg10 : memref<128x16xf32, #tpu.memory_space<vmem>>) offsets(%dma_start3A_39 : memref<128xi32, #tpu.memory_space<vmem>>) semaphore(%run_scoped3A_37 : memref<!tpu.dma_semaphore, #tpu.memory_space<semaphore_mem>>)
        %dma_wait3A = arith.constant 0 : i32
        %dma_wait3A_43 = tpu.memref_slice %arg8[%run_scoped3A_35, %dma_wait3A] : memref<8x128xi32, #tpu.memory_space<vmem>> -> memref<1x128xi32, #tpu.memory_space<vmem>>
        %dma_wait3A_44 = tpu.memref_squeeze %dma_wait3A_43 : memref<1x128xi32, #tpu.memory_space<vmem>> -> memref<128xi32, #tpu.memory_space<vmem>>
        %dma_wait3A_45 = arith.constant 0 : i32
        %dma_wait3A_46 = arith.constant 0 : i32
        %dma_wait3A_47 = tpu.memref_slice %arg2[%dma_wait3A_45, %dma_wait3A_46] : memref<10000x16xf32, #tpu.memory_space<hbm>> -> memref<10000x16xf32, #tpu.memory_space<hbm>>
        tpu.wait_indirect_dma semaphore(%run_scoped3A_37 : memref<!tpu.dma_semaphore, #tpu.memory_space<semaphore_mem>>) src(%dma_wait3A_47 : memref<10000x16xf32, #tpu.memory_space<hbm>>) dst(%arg10 : memref<128x16xf32, #tpu.memory_space<vmem>>)
        tpu.yield
      }) : () -> ()
      %run_scoped3A_36 = arith.constant 7 : i32
      "tpu.region"() ({
        %run_scoped3A_37 = tpu.sem_alloc : memref<!tpu.dma_semaphore, #tpu.memory_space<semaphore_mem>>
        %dma_start3A = arith.constant 0 : i32
        %dma_start3A_38 = tpu.memref_slice %arg9[%run_scoped3A_36, %dma_start3A] : memref<8x128xi32, #tpu.memory_space<vmem>> -> memref<1x128xi32, #tpu.memory_space<vmem>>
        %dma_start3A_39 = tpu.memref_squeeze %dma_start3A_38 : memref<1x128xi32, #tpu.memory_space<vmem>> -> memref<128xi32, #tpu.memory_space<vmem>>
        %dma_start3A_40 = arith.constant 0 : i32
        %dma_start3A_41 = arith.constant 0 : i32
        %dma_start3A_42 = tpu.memref_slice %arg7[%dma_start3A_40, %dma_start3A_41] : memref<10112x16xf32, #tpu.memory_space<vmem_shared>> -> memref<10112x16xf32, #tpu.memory_space<vmem_shared>>
        tpu.enqueue_indirect_dma source(%arg10 : memref<128x16xf32, #tpu.memory_space<vmem>>) target(%dma_start3A_42 : memref<10112x16xf32, #tpu.memory_space<vmem_shared>>) offsets(%dma_start3A_39 : memref<128xi32, #tpu.memory_space<vmem>>) semaphore(%run_scoped3A_37 : memref<!tpu.dma_semaphore, #tpu.memory_space<semaphore_mem>>) {add = true}
        %dma_wait3A = arith.constant 0 : i32
        %dma_wait3A_43 = tpu.memref_slice %arg9[%run_scoped3A_36, %dma_wait3A] : memref<8x128xi32, #tpu.memory_space<vmem>> -> memref<1x128xi32, #tpu.memory_space<vmem>>
        %dma_wait3A_44 = tpu.memref_squeeze %dma_wait3A_43 : memref<1x128xi32, #tpu.memory_space<vmem>> -> memref<128xi32, #tpu.memory_space<vmem>>
        %dma_wait3A_45 = arith.constant 0 : i32
        %dma_wait3A_46 = arith.constant 0 : i32
        %dma_wait3A_47 = tpu.memref_slice %arg7[%dma_wait3A_45, %dma_wait3A_46] : memref<10112x16xf32, #tpu.memory_space<vmem_shared>> -> memref<10112x16xf32, #tpu.memory_space<vmem_shared>>
        tpu.wait_indirect_dma semaphore(%run_scoped3A_37 : memref<!tpu.dma_semaphore, #tpu.memory_space<semaphore_mem>>) src(%arg10 : memref<128x16xf32, #tpu.memory_space<vmem>>) dst(%dma_wait3A_47 : memref<10112x16xf32, #tpu.memory_space<vmem_shared>>)
        tpu.yield
      }) : () -> ()
    }
    %scan3A_8 = arith.constant 5 : i32
    %barrier3A_9 = arith.constant 0 : index
    tpu.barrier barrier_id(%barrier3A_9)
    %mul3A_10 = arith.constant 632 : i32
    %mul3A_11 = arith.muli %arg1, %mul3A_10 : i32
    %mul3A_12 = arith.constant 632 : i32
    %mul3A_13 = arith.muli %arg1, %mul3A_12 : i32
    "tpu.region"() ({
      %run_scoped3A = tpu.sem_alloc : memref<!tpu.dma_semaphore, #tpu.memory_space<semaphore_mem>>
      %dma_start3A = arith.constant 0 : i32
      %dma_start3A_14 = tpu.memref_slice %arg6[%arg0, %mul3A_13, %dma_start3A] : memref<2x10112x16xf32, #tpu.memory_space<hbm>> -> memref<1x632x16xf32, #tpu.memory_space<hbm>>
      %dma_start3A_15 = tpu.memref_squeeze %dma_start3A_14 : memref<1x632x16xf32, #tpu.memory_space<hbm>> -> memref<632x16xf32, #tpu.memory_space<hbm>>
      %dma_start3A_16 = arith.constant 0 : i32
      %dma_start3A_17 = tpu.memref_slice %arg7[%mul3A_11, %dma_start3A_16] : memref<10112x16xf32, #tpu.memory_space<vmem_shared>> -> memref<632x16xf32, #tpu.memory_space<vmem_shared>>
      tpu.enqueue_dma source(%dma_start3A_17 : memref<632x16xf32, #tpu.memory_space<vmem_shared>>) target(%dma_start3A_15 : memref<632x16xf32, #tpu.memory_space<hbm>>) target_semaphore(%run_scoped3A : memref<!tpu.dma_semaphore, #tpu.memory_space<semaphore_mem>>)
      %dma_wait3A = arith.constant 0 : i32
      %dma_wait3A_18 = tpu.memref_slice %arg6[%arg0, %mul3A_13, %dma_wait3A] : memref<2x10112x16xf32, #tpu.memory_space<hbm>> -> memref<1x632x16xf32, #tpu.memory_space<hbm>>
      %dma_wait3A_19 = tpu.memref_squeeze %dma_wait3A_18 : memref<1x632x16xf32, #tpu.memory_space<hbm>> -> memref<632x16xf32, #tpu.memory_space<hbm>>
      %dma_wait3A_20 = arith.constant 0 : i32
      %dma_wait3A_21 = tpu.memref_slice %arg7[%mul3A_11, %dma_wait3A_20] : memref<10112x16xf32, #tpu.memory_space<vmem_shared>> -> memref<632x16xf32, #tpu.memory_space<vmem_shared>>
      tpu.wait_dma2 semaphore(%run_scoped3A : memref<!tpu.dma_semaphore, #tpu.memory_space<semaphore_mem>>) src(%dma_wait3A_21 : memref<632x16xf32, #tpu.memory_space<vmem_shared>>) dst(%dma_wait3A_19 : memref<632x16xf32, #tpu.memory_space<hbm>>)
      tpu.yield
    }) : () -> ()
    return
  }
}

module attributes {stable_mosaic.version = 14 : i64} {
  func.func @_tc1_body(%arg0: memref<10000x128xf32, #tpu.memory_space<vmem>>, %arg1: memref<1x128xf32, #tpu.memory_space<vmem>>, %arg2: memref<10000x16xf32, #tpu.memory_space<vmem>>) attributes {dimension_semantics = [], scalar_prefetch = 0 : i64, scratch_operands = 0 : i64, tpu.core_type = #tpu.core_type<tc>} {
    %get3A = arith.constant 0 : index
    %get3A_0 = arith.constant 0 : index
    %get3A_1 = vector.load %arg0[%get3A, %get3A_0] : memref<10000x128xf32, #tpu.memory_space<vmem>>, vector<10000x128xf32>
    %get3A_2 = arith.constant 0 : index
    %get3A_3 = arith.constant 0 : index
    %get3A_4 = vector.load %arg1[%get3A_2, %get3A_3] : memref<1x128xf32, #tpu.memory_space<vmem>>, vector<1x128xf32>
    %transpose3A = tpu.transpose %get3A_4, [1, 0] : vector<1x128xf32> -> vector<128x1xf32>
    %dot_general3A = arith.constant dense<0.000000e+00> : vector<10000x1xf32>
    %dot_general3A_5 = tpu.matmul %get3A_1, %transpose3A, %dot_general3A {dimension_numbers = #tpu.dot_dimension_numbers<[1], [0], [0], [1], [0, 0, 1, 1], [], []>, transpose_lhs_hint = false} : vector<10000x128xf32>, vector<128x1xf32>, vector<10000x1xf32> -> vector<10000x1xf32>
    %mul3A = arith.constant 5.000000e-01 : f32
    %mul3A_6 = vector.broadcast %mul3A : f32 to vector<10000x1xf32>
    %mul3A_7 = arith.mulf %dot_general3A_5, %mul3A_6 : vector<10000x1xf32>
    %tanh3A = math.tanh %mul3A_7 : vector<10000x1xf32>
    %neg3A = arith.constant 0.000000e+00 : f32
    %neg3A_8 = vector.broadcast %neg3A : f32 to vector<10000x1xf32>
    %neg3A_9 = arith.subf %neg3A_8, %tanh3A : vector<10000x1xf32>
    %jit3A = arith.constant -9.990000e-01 : f32
    %jit3A_10 = arith.constant 9.990000e-01 : f32
    %max3A = vector.broadcast %jit3A : f32 to vector<10000x1xf32>
    %max3A_11 = arith.maximumf %max3A, %neg3A_9 : vector<10000x1xf32>
    %min3A = vector.broadcast %jit3A_10 : f32 to vector<10000x1xf32>
    %min3A_12 = arith.minimumf %min3A, %max3A_11 : vector<10000x1xf32>
    %abs3A = math.absf %min3A_12 : vector<10000x1xf32>
    %max3A_13 = arith.constant 9.99999993E-9 : f32
    %max3A_14 = vector.broadcast %max3A_13 : f32 to vector<10000x1xf32>
    %max3A_15 = arith.maximumf %abs3A, %max3A_14 : vector<10000x1xf32>
    %log3A = math.log %max3A_15 : vector<10000x1xf32>
    %lt3A = arith.constant 0.000000e+00 : f32
    %lt3A_16 = vector.broadcast %lt3A : f32 to vector<10000x1xf32>
    %lt3A_17 = arith.cmpf olt, %min3A_12, %lt3A_16 : vector<10000x1xf32>
    %convert_element_type3A = arith.extui %lt3A_17 : vector<10000x1xi1> to vector<10000x1xi32>
    %convert_element_type3A_18 = arith.sitofp %convert_element_type3A : vector<10000x1xi32> to vector<10000x1xf32>
    %broadcast_in_dim3A = arith.constant 0.000000e+00 : f32
    %broadcast_in_dim3A_19 = vector.broadcast %broadcast_in_dim3A : f32 to vector<10000x14xf32>
    %concatenate3A = tpu.concatenate %log3A, %convert_element_type3A_18, %broadcast_in_dim3A_19 in 1 : vector<10000x1xf32>, vector<10000x1xf32>, vector<10000x14xf32> -> vector<10000x16xf32>
    %swap3A = arith.constant 0 : index
    %swap3A_20 = arith.constant 0 : index
    %swap3A_21 = vector.load %arg2[%swap3A, %swap3A_20] : memref<10000x16xf32, #tpu.memory_space<vmem>>, vector<10000x16xf32>
    tpu.vector_store %arg2[%swap3A, %swap3A_20], %concatenate3A {strides = array<i32>} : memref<10000x16xf32, #tpu.memory_space<vmem>>, vector<10000x16xf32>,
    return
  }
}

module attributes {stable_mosaic.version = 14 : i64} {
  func.func @_tc2_body(%arg0: i32, %arg1: memref<1000x128xf32, #tpu.memory_space<vmem>>, %arg2: memref<2x1000x16xf32, #tpu.memory_space<vmem>>, %arg3: memref<128x128xf32, #tpu.memory_space<vmem>>, %arg4: memref<1x128xf32, #tpu.memory_space<vmem>>, %arg5: memref<1x128xf32, #tpu.memory_space<vmem>>, %arg6: memref<128x128xf32, #tpu.memory_space<vmem>>, %arg7: memref<1x128xf32, #tpu.memory_space<vmem>>, %arg8: memref<1000x128xf32, #tpu.memory_space<vmem>>, %arg9: memref<1000x144xf32, #tpu.memory_space<vmem>>) attributes {dimension_semantics = [#tpu.dimension_semantics<arbitrary>], iteration_bounds = array<i64: 10>, scalar_prefetch = 0 : i64, scratch_operands = 0 : i64, tpu.core_type = #tpu.core_type<tc>, window_params = [{transform_indices = @transform_0, window_bounds = array<i64: 1000, 128>}, {transform_indices = @transform_1, window_bounds = array<i64: 2, 1000, 16>}, {pipeline_mode = #tpu.pipeline_mode<synchronous>, transform_indices = @transform_2, window_bounds = array<i64: 128, 128>}, {pipeline_mode = #tpu.pipeline_mode<synchronous>, transform_indices = @transform_3, window_bounds = array<i64: 1, 128>}, {pipeline_mode = #tpu.pipeline_mode<synchronous>, transform_indices = @transform_4, window_bounds = array<i64: 1, 128>}, {pipeline_mode = #tpu.pipeline_mode<synchronous>, transform_indices = @transform_5, window_bounds = array<i64: 128, 128>}, {pipeline_mode = #tpu.pipeline_mode<synchronous>, transform_indices = @transform_6, window_bounds = array<i64: 1, 128>}, {transform_indices = @transform_7, window_bounds = array<i64: 1000, 128>}, {transform_indices = @transform_8, window_bounds = array<i64: 1000, 144>}]} {
    %get3A = arith.constant 0 : index
    %get3A_0 = arith.constant 0 : index
    %get3A_1 = arith.constant 0 : index
    %get3A_2 = vector.load %arg2[%get3A, %get3A_0, %get3A_1] : memref<2x1000x16xf32, #tpu.memory_space<vmem>>, vector<1x1000x1xf32>
    %get3A_3 = vector.shape_cast %get3A_2 : vector<1x1000x1xf32> to vector<1000x1xf32>
    %get3A_4 = arith.constant 1 : index
    %get3A_5 = arith.constant 0 : index
    %get3A_6 = arith.constant 0 : index
    %get3A_7 = vector.load %arg2[%get3A_4, %get3A_5, %get3A_6] : memref<2x1000x16xf32, #tpu.memory_space<vmem>>, vector<1x1000x1xf32>
    %get3A_8 = vector.shape_cast %get3A_7 : vector<1x1000x1xf32> to vector<1000x1xf32>
    %add3A = arith.addf %get3A_3, %get3A_8 : vector<1000x1xf32>
    %get3A_9 = arith.constant 0 : index
    %get3A_10 = arith.constant 0 : index
    %get3A_11 = arith.constant 1 : index
    %get3A_12 = vector.load %arg2[%get3A_9, %get3A_10, %get3A_11] : memref<2x1000x16xf32, #tpu.memory_space<vmem>>, vector<1x1000x1xf32>
    %get3A_13 = vector.shape_cast %get3A_12 : vector<1x1000x1xf32> to vector<1000x1xf32>
    %get3A_14 = arith.constant 1 : index
    %get3A_15 = arith.constant 0 : index
    %get3A_16 = arith.constant 1 : index
    %get3A_17 = vector.load %arg2[%get3A_14, %get3A_15, %get3A_16] : memref<2x1000x16xf32, #tpu.memory_space<vmem>>, vector<1x1000x1xf32>
    %get3A_18 = vector.shape_cast %get3A_17 : vector<1x1000x1xf32> to vector<1000x1xf32>
    %add3A_19 = arith.addf %get3A_13, %get3A_18 : vector<1000x1xf32>
    %jit3A = arith.constant 2.000000e+00 : f32
    %rem3A = vector.broadcast %jit3A : f32 to vector<1000x1xf32>
    %rem3A_20 = arith.remf %add3A_19, %rem3A : vector<1000x1xf32>
    %ne3A = arith.constant 0.000000e+00 : f32
    %ne3A_21 = vector.broadcast %ne3A : f32 to vector<1000x1xf32>
    %ne3A_22 = arith.cmpf one, %rem3A_20, %ne3A_21 : vector<1000x1xf32>
    %lt3A = arith.constant 0.000000e+00 : f32
    %lt3A_23 = vector.broadcast %lt3A : f32 to vector<1000x1xf32>
    %lt3A_24 = arith.cmpf olt, %rem3A_20, %lt3A_23 : vector<1000x1xf32>
    %lt3A_25 = arith.constant 0.000000e+00 : f32
    %lt3A_26 = arith.cmpf olt, %jit3A, %lt3A_25 : f32
    %ne3A_27 = vector.broadcast %lt3A_26 : i1 to vector<1000x1xi1>
    %ne3A_28 = vector.broadcast %ne3A_27 : vector<1000x1xi1> to vector<1000x1xi1>
    %ne3A_29 = arith.xori %lt3A_24, %ne3A_28 : vector<1000x1xi1>
    %and3A = arith.andi %ne3A_29, %ne3A_22 : vector<1000x1xi1>
    %add3A_30 = vector.broadcast %jit3A : f32 to vector<1000x1xf32>
    %add3A_31 = arith.addf %rem3A_20, %add3A_30 : vector<1000x1xf32>
    %select_n3A = arith.select %and3A, %add3A_31, %rem3A_20 : vector<1000x1xi1>, vector<1000x1xf32>
    %mul3A = arith.constant 2.000000e+00 : f32
    %mul3A_32 = vector.broadcast %mul3A : f32 to vector<1000x1xf32>
    %mul3A_33 = arith.mulf %mul3A_32, %select_n3A : vector<1000x1xf32>
    %sub3A = arith.constant 1.000000e+00 : f32
    %sub3A_34 = vector.broadcast %sub3A : f32 to vector<1000x1xf32>
    %sub3A_35 = arith.subf %sub3A_34, %mul3A_33 : vector<1000x1xf32>
    %min3A = arith.constant 2.000000e+01 : f32
    %min3A_36 = vector.broadcast %min3A : f32 to vector<1000x1xf32>
    %min3A_37 = arith.minimumf %add3A, %min3A_36 : vector<1000x1xf32>
    %exp3A = math.exp %min3A_37 : vector<1000x1xf32>
    %mul3A_38 = arith.mulf %sub3A_35, %exp3A : vector<1000x1xf32>
    %is_finite3A = tpu.weird %mul3A_38 : vector<1000x1xf32> -> vector<1000x1xi1>
    %is_finite3A_39 = arith.constant dense<true> : vector<1000x1xi1>
    %is_finite3A_40 = arith.xori %is_finite3A, %is_finite3A_39 : vector<1000x1xi1>
    %jit3A_41 = arith.constant 0.000000e+00 : f32
    %broadcast_in_dim3A = vector.broadcast %jit3A_41 : f32 to vector<1000x1xf32>
    %select_n3A_42 = arith.select %is_finite3A_40, %mul3A_38, %broadcast_in_dim3A : vector<1000x1xi1>, vector<1000x1xf32>
    %get3A_43 = arith.constant 0 : index
    %get3A_44 = arith.constant 0 : index
    %get3A_45 = vector.load %arg1[%get3A_43, %get3A_44] : memref<1000x128xf32, #tpu.memory_space<vmem>>, vector<1000x128xf32>
    %get3A_46 = arith.constant 0 : index
    %get3A_47 = arith.constant 0 : index
    %get3A_48 = vector.load %arg3[%get3A_46, %get3A_47] : memref<128x128xf32, #tpu.memory_space<vmem>>, vector<128x128xf32>
    %transpose3A = tpu.transpose %get3A_48, [1, 0] : vector<128x128xf32> -> vector<128x128xf32>
    %dot_general3A = arith.constant dense<0.000000e+00> : vector<1000x128xf32>
    %dot_general3A_49 = tpu.matmul %get3A_45, %transpose3A, %dot_general3A {dimension_numbers = #tpu.dot_dimension_numbers<[1], [0], [0], [1], [0, 0, 1, 1], [], []>, transpose_lhs_hint = false} : vector<1000x128xf32>, vector<128x128xf32>, vector<1000x128xf32> -> vector<1000x128xf32>
    %get3A_50 = arith.constant 0 : index
    %get3A_51 = arith.constant 0 : index
    %get3A_52 = vector.load %arg4[%get3A_50, %get3A_51] : memref<1x128xf32, #tpu.memory_space<vmem>>, vector<1x128xf32>
    %mul3A_53 = vector.broadcast %select_n3A_42 : vector<1000x1xf32> to vector<1000x128xf32>
    %mul3A_54 = vector.broadcast %get3A_52 : vector<1x128xf32> to vector<1000x128xf32>
    %mul3A_55 = arith.mulf %mul3A_53, %mul3A_54 : vector<1000x128xf32>
    %add3A_56 = arith.addf %dot_general3A_49, %mul3A_55 : vector<1000x128xf32>
    %get3A_57 = arith.constant 0 : index
    %get3A_58 = arith.constant 0 : index
    %get3A_59 = vector.load %arg5[%get3A_57, %get3A_58] : memref<1x128xf32, #tpu.memory_space<vmem>>, vector<1x128xf32>
    %add3A_60 = vector.broadcast %get3A_59 : vector<1x128xf32> to vector<1000x128xf32>
    %add3A_61 = arith.addf %add3A_56, %add3A_60 : vector<1000x128xf32>
    %max3A = arith.constant 0.000000e+00 : f32
    %max3A_62 = vector.broadcast %max3A : f32 to vector<1000x128xf32>
    %max3A_63 = arith.maximumf %add3A_61, %max3A_62 : vector<1000x128xf32>
    %get3A_64 = arith.constant 0 : index
    %get3A_65 = arith.constant 0 : index
    %get3A_66 = vector.load %arg6[%get3A_64, %get3A_65] : memref<128x128xf32, #tpu.memory_space<vmem>>, vector<128x128xf32>
    %transpose3A_67 = tpu.transpose %get3A_66, [1, 0] : vector<128x128xf32> -> vector<128x128xf32>
    %dot_general3A_68 = arith.constant dense<0.000000e+00> : vector<1000x128xf32>
    %dot_general3A_69 = tpu.matmul %max3A_63, %transpose3A_67, %dot_general3A_68 {dimension_numbers = #tpu.dot_dimension_numbers<[1], [0], [0], [1], [0, 0, 1, 1], [], []>, transpose_lhs_hint = false} : vector<1000x128xf32>, vector<128x128xf32>, vector<1000x128xf32> -> vector<1000x128xf32>
    %get3A_70 = arith.constant 0 : index
    %get3A_71 = arith.constant 0 : index
    %get3A_72 = vector.load %arg7[%get3A_70, %get3A_71] : memref<1x128xf32, #tpu.memory_space<vmem>>, vector<1x128xf32>
    %add3A_73 = vector.broadcast %get3A_72 : vector<1x128xf32> to vector<1000x128xf32>
    %add3A_74 = arith.addf %dot_general3A_69, %add3A_73 : vector<1000x128xf32>
    %mul3A_75 = arith.constant 1.000000e-01 : f32
    %mul3A_76 = vector.broadcast %mul3A_75 : f32 to vector<1000x128xf32>
    %mul3A_77 = arith.mulf %mul3A_76, %add3A_74 : vector<1000x128xf32>
    %add3A_78 = arith.addf %get3A_45, %mul3A_77 : vector<1000x128xf32>
    %swap3A = arith.constant 0 : index
    %swap3A_79 = arith.constant 0 : index
    %swap3A_80 = vector.load %arg8[%swap3A, %swap3A_79] : memref<1000x128xf32, #tpu.memory_space<vmem>>, vector<1000x128xf32>
    tpu.vector_store %arg8[%swap3A, %swap3A_79], %add3A_78 {strides = array<i32>} : memref<1000x128xf32, #tpu.memory_space<vmem>>, vector<1000x128xf32>,
    %broadcast_in_dim3A_81 = arith.constant 1.000000e+00 : f32
    %broadcast_in_dim3A_82 = vector.broadcast %broadcast_in_dim3A_81 : f32 to vector<1000x1xf32>
    %broadcast_in_dim3A_83 = arith.constant 0.000000e+00 : f32
    %broadcast_in_dim3A_84 = vector.broadcast %broadcast_in_dim3A_83 : f32 to vector<1000x15xf32>
    %concatenate3A = tpu.concatenate %add3A_78, %broadcast_in_dim3A_82, %broadcast_in_dim3A_84 in 1 : vector<1000x128xf32>, vector<1000x1xf32>, vector<1000x15xf32> -> vector<1000x144xf32>
    %swap3A_85 = arith.constant 0 : index
    %swap3A_86 = arith.constant 0 : index
    %swap3A_87 = vector.load %arg9[%swap3A_85, %swap3A_86] : memref<1000x144xf32, #tpu.memory_space<vmem>>, vector<1000x144xf32>
    tpu.vector_store %arg9[%swap3A_85, %swap3A_86], %concatenate3A {strides = array<i32>} : memref<1000x144xf32, #tpu.memory_space<vmem>>, vector<1000x144xf32>,
    return
  }
  func.func @transform_0(%arg0: i32) -> (i32, i32) {
    %c0_i32 = arith.constant 0 : i32
    %c0_i32_0 = arith.constant 0 : i32
    return %arg0, %c0_i32 : i32, i32
  }
  func.func @transform_1(%arg0: i32) -> (i32, i32, i32) {
    %c0_i32 = arith.constant 0 : i32
    %c0_i32_0 = arith.constant 0 : i32
    %c0_i32_1 = arith.constant 0 : i32
    return %c0_i32, %arg0, %c0_i32_0 : i32, i32, i32
  }
  func.func @transform_2(%arg0: i32) -> (i32, i32) {
    %c0_i32 = arith.constant 0 : i32
    %c0_i32_0 = arith.constant 0 : i32
    %c0_i32_1 = arith.constant 0 : i32
    return %c0_i32, %c0_i32_0 : i32, i32
  }
  func.func @transform_3(%arg0: i32) -> (i32, i32) {
    %c0_i32 = arith.constant 0 : i32
    %c0_i32_0 = arith.constant 0 : i32
    %c0_i32_1 = arith.constant 0 : i32
    return %c0_i32, %c0_i32_0 : i32, i32
  }
  func.func @transform_4(%arg0: i32) -> (i32, i32) {
    %c0_i32 = arith.constant 0 : i32
    %c0_i32_0 = arith.constant 0 : i32
    %c0_i32_1 = arith.constant 0 : i32
    return %c0_i32, %c0_i32_0 : i32, i32
  }
  func.func @transform_5(%arg0: i32) -> (i32, i32) {
    %c0_i32 = arith.constant 0 : i32
    %c0_i32_0 = arith.constant 0 : i32
    %c0_i32_1 = arith.constant 0 : i32
    return %c0_i32, %c0_i32_0 : i32, i32
  }
  func.func @transform_6(%arg0: i32) -> (i32, i32) {
    %c0_i32 = arith.constant 0 : i32
    %c0_i32_0 = arith.constant 0 : i32
    %c0_i32_1 = arith.constant 0 : i32
    return %c0_i32, %c0_i32_0 : i32, i32
  }
  func.func @transform_7(%arg0: i32) -> (i32, i32) {
    %c0_i32 = arith.constant 0 : i32
    %c0_i32_0 = arith.constant 0 : i32
    return %arg0, %c0_i32 : i32, i32
  }
  func.func @transform_8(%arg0: i32) -> (i32, i32) {
    %c0_i32 = arith.constant 0 : i32
    %c0_i32_0 = arith.constant 0 : i32
    return %arg0, %c0_i32 : i32, i32
  }
}

module attributes {stable_mosaic.version = 14 : i64} {
  func.func @_tc3_body(%arg0: i32, %arg1: memref<1000x128xf32, #tpu.memory_space<vmem>>, %arg2: memref<2x1000x144xf32, #tpu.memory_space<vmem>>, %arg3: memref<128x128xf32, #tpu.memory_space<vmem>>, %arg4: memref<1000x128xf32, #tpu.memory_space<vmem>>) attributes {dimension_semantics = [#tpu.dimension_semantics<arbitrary>], iteration_bounds = array<i64: 10>, scalar_prefetch = 0 : i64, scratch_operands = 0 : i64, tpu.core_type = #tpu.core_type<tc>, window_params = [{transform_indices = @transform_0, window_bounds = array<i64: 1000, 128>}, {transform_indices = @transform_1, window_bounds = array<i64: 2, 1000, 144>}, {pipeline_mode = #tpu.pipeline_mode<synchronous>, transform_indices = @transform_2, window_bounds = array<i64: 128, 128>}, {transform_indices = @transform_3, window_bounds = array<i64: 1000, 128>}]} {
    %get3A = arith.constant 0 : index
    %get3A_0 = arith.constant 0 : index
    %get3A_1 = arith.constant 0 : index
    %get3A_2 = vector.load %arg2[%get3A, %get3A_0, %get3A_1] : memref<2x1000x144xf32, #tpu.memory_space<vmem>>, vector<1x1000x144xf32>
    %get3A_3 = vector.shape_cast %get3A_2 : vector<1x1000x144xf32> to vector<1000x144xf32>
    %get3A_4 = arith.constant 1 : index
    %get3A_5 = arith.constant 0 : index
    %get3A_6 = arith.constant 0 : index
    %get3A_7 = vector.load %arg2[%get3A_4, %get3A_5, %get3A_6] : memref<2x1000x144xf32, #tpu.memory_space<vmem>>, vector<1x1000x144xf32>
    %get3A_8 = vector.shape_cast %get3A_7 : vector<1x1000x144xf32> to vector<1000x144xf32>
    %add3A = arith.addf %get3A_3, %get3A_8 : vector<1000x144xf32>
    %slice3A = vector.extract_strided_slice %add3A {offsets = [0, 128], sizes = [1000, 1], strides = [1, 1]} : vector<1000x144xf32> to vector<1000x1xf32>
    %max3A = arith.constant 1.000000e+00 : f32
    %max3A_9 = vector.broadcast %max3A : f32 to vector<1000x1xf32>
    %max3A_10 = arith.maximumf %slice3A, %max3A_9 : vector<1000x1xf32>
    %slice3A_11 = vector.extract_strided_slice %add3A {offsets = [0, 0], sizes = [1000, 128], strides = [1, 1]} : vector<1000x144xf32> to vector<1000x128xf32>
    %get3A_12 = arith.constant 0 : index
    %get3A_13 = arith.constant 0 : index
    %get3A_14 = vector.load %arg3[%get3A_12, %get3A_13] : memref<128x128xf32, #tpu.memory_space<vmem>>, vector<128x128xf32>
    %transpose3A = tpu.transpose %get3A_14, [1, 0] : vector<128x128xf32> -> vector<128x128xf32>
    %dot_general3A = arith.constant dense<0.000000e+00> : vector<1000x128xf32>
    %dot_general3A_15 = tpu.matmul %slice3A_11, %transpose3A, %dot_general3A {dimension_numbers = #tpu.dot_dimension_numbers<[1], [0], [0], [1], [0, 0, 1, 1], [], []>, transpose_lhs_hint = false} : vector<1000x128xf32>, vector<128x128xf32>, vector<1000x128xf32> -> vector<1000x128xf32>
    %div3A = vector.broadcast %max3A_10 : vector<1000x1xf32> to vector<1000x128xf32>
    %div3A_16 = arith.divf %dot_general3A_15, %div3A : vector<1000x128xf32>
    %get3A_17 = arith.constant 0 : index
    %get3A_18 = arith.constant 0 : index
    %get3A_19 = vector.load %arg1[%get3A_17, %get3A_18] : memref<1000x128xf32, #tpu.memory_space<vmem>>, vector<1000x128xf32>
    %mul3A = arith.constant 1.000000e-01 : f32
    %mul3A_20 = vector.broadcast %mul3A : f32 to vector<1000x128xf32>
    %mul3A_21 = arith.mulf %mul3A_20, %div3A_16 : vector<1000x128xf32>
    %add3A_22 = arith.addf %get3A_19, %mul3A_21 : vector<1000x128xf32>
    %swap3A = arith.constant 0 : index
    %swap3A_23 = arith.constant 0 : index
    %swap3A_24 = vector.load %arg4[%swap3A, %swap3A_23] : memref<1000x128xf32, #tpu.memory_space<vmem>>, vector<1000x128xf32>
    tpu.vector_store %arg4[%swap3A, %swap3A_23], %add3A_22 {strides = array<i32>} : memref<1000x128xf32, #tpu.memory_space<vmem>>, vector<1000x128xf32>,
    return
  }
  func.func @transform_0(%arg0: i32) -> (i32, i32) {
    %c0_i32 = arith.constant 0 : i32
    %c0_i32_0 = arith.constant 0 : i32
    return %arg0, %c0_i32 : i32, i32
  }
  func.func @transform_1(%arg0: i32) -> (i32, i32, i32) {
    %c0_i32 = arith.constant 0 : i32
    %c0_i32_0 = arith.constant 0 : i32
    %c0_i32_1 = arith.constant 0 : i32
    return %c0_i32, %arg0, %c0_i32_0 : i32, i32, i32
  }
  func.func @transform_2(%arg0: i32) -> (i32, i32) {
    %c0_i32 = arith.constant 0 : i32
    %c0_i32_0 = arith.constant 0 : i32
    %c0_i32_1 = arith.constant 0 : i32
    return %c0_i32, %c0_i32_0 : i32, i32
  }
  func.func @transform_3(%arg0: i32) -> (i32, i32) {
    %c0_i32 = arith.constant 0 : i32
    %c0_i32_0 = arith.constant 0 : i32
    return %arg0, %c0_i32 : i32, i32
  }
}

</mosaic_0001>

<sc_bundles>
// kernel: kernel.10.cloned.1.call-start
scs
__scs_entry_jumppad:
0x0: {  	(pc) =	sbr.rel $0x88, $3  }
0x1: {  	(tag) =	ssettag $0x0;
	lr =	simm.s32 $0x1  }
0x2: {  	[smem:$0x3F97] =	sst lr;
	_ =	strace $0xD0000000  }
0x3: {  	_ = 	snop  }
0x4: {  	_ = 	snop  }
0x5: {  	_ = 	snop  }
0x6: {  	_ = 	snop  }
0x7: {  	_ = 	snop  }
__scs_overlays_trampoline_lowered:
0x8: {  	[smem:$0x3FA6] =	sst s0  }
0x9: {  	[smem:$0x3FA7] =	sst s1  }
0xa: {  	[smem:$0x3FA8] =	sst s2  }
0xb: {  	[smem:$0x3FA9] =	sst s3  }
0xc: {  	[smem:$0x3FAA] =	sst s4  }
0xd: {  	[smem:$0x3FAB] =	sst s5  }
0xe: {  	[smem:$0x3FAC] =	sst s6  }
0xf: {  	[smem:$0x3FAD] =	sst s7  }
0x10: {  	[smem:$0x3FAE] =	sst s8  }
0x11: {  	[smem:$0x3FAF] =	sst s9;
	s0 =	simm.s32 @!p0 $0x0  }
0x12: {  	s1 =	sld [smem:$0x3F95];
	s0 =	simm.s32 @p0 $0x1  }
0x13: {  	[smem:$0x3FB0] =	sst s0;
	s0 =	simm.s32 @!p1 $0x0  }
0x14: {  	s2 =	sld [smem:$0x3F94];
	s0 =	simm.s32 @p1 $0x1  }
0x15: {  	[smem:$0x3FB1] =	sst s0;
	s0 =	simm.s32 @!p2 $0x0  }
0x16: {  	s3 =	sld [smem:$0x3FDB];
	s0 =	simm.s32 @p2 $0x1  }
0x17: {  	s4 =	simm.s32 $0x1BF5;
	[smem:$0x3FB3] =	sst s0  }
0x18: {  	s0 =	sld [smem:$0x3F96];
	_ =	swait.ge [sflag:s4], $0x0  }
0x19: {  	s7 =	sld [smem:$0x3F97]  }
0x1a: {  	s8 =	sadd.s32 $0xFFFFE003, lr  }
0x1b: {  	s9 =	sadd.s32 $0xFFFFFEF7, lr;
	s5 =	simm.s32 $0xFFFFFFFF;
	p2 =	slt.u32 s8, $0xFFFFF086  }
0x1c: {  	p1 =	slt.u32 s9, $0xF7A;
	s5 =	simm.s32 @!p2 $0x0  }
0x1d: {  	s5 =	simm.s32 @p1 $0x1;
	p0 =	seq.s32 s7, s2  }
0x1e: {  	s7 =	smul.u32 @!p0 $0xF7A, s2;
	p2 =	seq.s32 @!p0 s5, $0x0  }
0x1f: {  	s9 =	smul.u32 $0xF7A, s1;
	s8 =	simm.s32 @!p0 $0x1BF5;
	p2 =	por !p2, p0  }
0x20: {  	[sflag:s8] =	ssyncset.s32 @!p0 $0xFFFFF086;
	s6 =	sadd.s32 @!p0 s3, s7;
	s7 =	simm.s32 @!p0 $0x108  }
0x21: {  	s3 =	sadd.s32 s3, s9;
	s6 =	sadd.s32 @!p0 $0x88, s6;
	s7 =	simm.s32 @p2 $0x1082  }
0x22: {  	[simem:s7], [sflag:s8] =	dma.local @!p0 [hbm:s6], $0xF7A  }
0x23: {  	s9 =	sor.u32 $0xD0000000, s2;
	s6 =	simm.s32 $0x108;
	_ =	swait.ge @!p0 [sflag:s8], $0x0  }
0x24: {  	s3 =	sadd.s32 $0x88, s3;
	s6 =	simm.s32 @!p1 $0x1082;
	[sflag:s4] =	ssyncset.s32 $0xFFFFF086  }
0x25: {  	[simem:s6], [sflag:s4] =	dma.local [hbm:s3], $0xF7A  }
0x26: {  	[smem:$0x3F97] =	sst s1;
	(tag) =	ssettag s2;
	_ =	strace s9  }
0x27: {  	s1 =	sld [smem:$0x3FA7]  }
0x28: {  	s2 =	sld [smem:$0x3FA8]  }
0x29: {  	s4 =	sld [smem:$0x3FAA]  }
0x2a: {  	p0 =	seq.s32 s5, $0x0;
	s5 =	sld [smem:$0x3FAB]  }
0x2b: {  	s6 =	sld [smem:$0x3FAC]  }
0x2c: {  	s7 =	sld [smem:$0x3FAD]  }
0x2d: {  	s3 =	simm.s32 $0x108;
	s8 =	sld [smem:$0x3FAE]  }
0x2e: {  	s3 =	simm.s32 @!p0 $0x1082;
	s9 =	sld [smem:$0x3FAF]  }
0x2f: {  	lr =	sadd.s32 s0, s3;
	s0 =	sld [smem:$0x3FA6]  }
0x30: {  	s3 =	sld [smem:$0x3FA9]  }
0x31: {  	[smem:$0x3FB2] =	sst s10  }
0x32: {  	s10 =	sld [smem:$0x3FB0];
	_ =	sdelay $0x3  }
0x33: {  	p0 =	seq.s32 s10, $0x1;
	s10 =	sld [smem:$0x3FB2];
	_ =	sdelay $0x3  }
0x34: {  	[smem:$0x3FB2] =	sst s10  }
0x35: {  	s10 =	sld [smem:$0x3FB1];
	_ =	sdelay $0x3  }
0x36: {  	p1 =	seq.s32 s10, $0x1;
	s10 =	sld [smem:$0x3FB2];
	_ =	sdelay $0x3  }
0x37: {  	[smem:$0x3FB2] =	sst s10  }
0x38: {  	s10 =	sld [smem:$0x3FB3]  }
0x39: {  	_ = 	snop;
	(pc) =	sbr.ind lr, $3  }
0x3a: {  	_ = 	snop  }
0x3b: {  	_ = 	snop  }
0x3c: {  	p2 =	seq.s32 s10, $0x1;
	s10 =	sld [smem:$0x3FB2]  }
0x3d: {  	_ =	shalt  }
0x3e: {  	_ =	shalt  }
0x3f: {  	_ =	shalt  }
0x40: {  	_ =	shalt  }
0x41: {  	_ =	shalt  }
0x42: {  	_ =	shalt  }
0x43: {  	_ =	shalt  }
0x44: {  	_ =	shalt  }
0x45: {  	_ =	shalt  }
0x46: {  	_ =	shalt  }
0x47: {  	_ =	shalt  }
0x48: {  	_ =	shalt  }
0x49: {  	_ =	shalt  }
0x4a: {  	_ =	shalt  }
0x4b: {  	_ =	shalt  }
0x4c: {  	_ =	shalt  }
0x4d: {  	_ =	shalt  }
0x4e: {  	_ =	shalt  }
0x4f: {  	_ =	shalt  }
0x50: {  	_ =	shalt  }
0x51: {  	_ =	shalt  }
0x52: {  	_ =	shalt  }
0x53: {  	_ =	shalt  }
0x54: {  	_ =	shalt  }
0x55: {  	_ =	shalt  }
0x56: {  	_ =	shalt  }
0x57: {  	_ =	shalt  }
0x58: {  	_ =	shalt  }
0x59: {  	_ =	shalt  }
0x5a: {  	_ =	shalt  }
0x5b: {  	_ =	shalt  }
0x5c: {  	_ =	shalt  }
0x5d: {  	_ =	shalt  }
0x5e: {  	_ =	shalt  }
0x5f: {  	_ =	shalt  }
0x60: {  	_ =	shalt  }
0x61: {  	_ =	shalt  }
0x62: {  	_ =	shalt  }
0x63: {  	_ =	shalt  }
0x64: {  	_ =	shalt  }
0x65: {  	_ =	shalt  }
0x66: {  	_ =	shalt  }
0x67: {  	_ =	shalt  }
0x68: {  	_ =	shalt  }
0x69: {  	_ =	shalt  }
0x6a: {  	_ =	shalt  }
0x6b: {  	_ =	shalt  }
0x6c: {  	_ =	shalt  }
0x6d: {  	_ =	shalt  }
0x6e: {  	_ =	shalt  }
0x6f: {  	_ =	shalt  }
0x70: {  	_ =	shalt  }
0x71: {  	_ =	shalt  }
0x72: {  	_ =	shalt  }
0x73: {  	_ =	shalt  }
0x74: {  	_ =	shalt  }
0x75: {  	_ =	shalt  }
0x76: {  	_ =	shalt  }
0x77: {  	_ =	shalt  }
0x78: {  	_ =	shalt  }
0x79: {  	_ =	shalt  }
0x7a: {  	_ =	shalt  }
0x7b: {  	_ =	shalt  }
0x7c: {  	_ =	shalt  }
0x7d: {  	_ =	shalt  }
0x7e: {  	_ =	shalt  }
0x7f: {  	_ =	shalt  }
0x80: {  	_ =	shalt  }
0x81: {  	_ =	shalt  }
0x82: {  	_ =	shalt  }
0x83: {  	_ =	shalt  }
0x84: {  	_ =	shalt  }
0x85: {  	_ =	shalt  }
0x86: {  	_ =	shalt  }
0x87: {  	_ =	shalt  }
.Lfunc_end0:
.L_simem_size_0:
called_computation.1_lowered:
.L_overlay_start_0:
0x88: {  	s2 =	sld [smem:$0x3FD9]  }
0x89: {  	s3 =	sld [smem:$0x3FFE];
	_ =	sdelay $0x1  }
0x8a: {  	s1 =	srdreg.scid  }
0x8b: {  	s0 =	sand.u32 $0x1, s1  }
0x8c: {  	s14 =	sshll.u32 s0, $0xA;
	s2 =	sadd.s32 s3, s2  }
0x8d: {  	s2 =	sadd.s32 s2, s14  }
0x8e: {  	[smem:$0x3FBE] =	sst s2  }
0x8f: {  	_ = 	snop  }
0x90: {  	s2 =	sld [smem:$0x3FD0];
	_ =	sdelay $0x2  }
0x91: {  	s15 =	simm.s32 $0xA;
	s4 =	simm.s32 $0x10  }
0x92: {  	[smem:s4], [sflag:s15] =	dma.local [hbm:s2], $0x1  }
0x93: {  	_ =	swait.eq [sflag:s15], $0x1  }
0x94: {  	[sflag:s15] =	ssyncset.done $0x0  }
0x95: {  	[sflag:s15] =	ssyncadd.s32 $0xFFFFFFFF  }
0x96: {  	s16 =	sld [smem:$0x11];
	(tm) =	ssettm $0x1  }
0x97: {  	s17 =	sld [smem:$0x3FFB];
	_ =	sdelay $0x3  }
0x98: {  	_ =	strace s17  }
0x99: {  	s3 =	sld [smem:$0x3FFC];
	_ =	sdelay $0x3  }
0x9a: {  	_ =	strace s3  }
0x9b: {  	s3 =	sld [smem:$0x3FFD];
	_ =	sdelay $0x3  }
0x9c: {  	_ =	strace s3  }
0x9d: {  	_ =	strace $0x8FFFFFFF  }
0x9e: {  	s18 =	sld [smem:$0x3FDB];
	_ =	sdelay $0x1  }
0x9f: {  	s19 =	simm.s32 $_scs_section_size  }
0xa0: {  	s5 =	simm.s32 $_size__tile_overlayer_lowered;
	s6 =	simm.s32 $_tile_overlayer_lowered  }
0xa1: {  	s22 =	simm.s32 $0x1BFF;
	s21 =	sshll.u32 s6, $0x1;
	s3 =	sadd.s32 s19, s18  }
0xa2: {  	s7 =	simm.s32 $0x0;
	s20 =	sshll.u32 s5, $0x1;
	s5 =	sadd.s32 s21, s3  }
0xa3: {  	[timem:s7], [sflag:s22] =	dma.local [hbm:s5], s20  }
0xa4: {  	_ =	swait.ge [sflag:s22], s20  }
0xa5: {  	s4 =	ssub.s32 $0x0, s20;
	[sflag:s22] =	ssyncset.done $0x0  }
0xa6: {  	[sflag:s22] =	ssyncadd.s32 s4;
	_ =	sdelay $0x1  }
0xa7: {  	s23 =	simm.s32 $0x1B8B  }
0xa8: {  	_ =	swait.ge [sflag:s23], $0x1  }
0xa9: {  	[sflag:s23] =	ssyncset.done $0x0  }
0xaa: {  	s25 =	simm.s32 $0x1B8E;
	s24 =	sld [smem:$0x3FFE];
	[sflag:s23] =	ssyncadd.s32 $0xFFFFFFFF  }
0xab: {  	s26 =	simm.s32 $execute0_lowered;
	[smem:$0x3FD2] =	sst s25  }
0xac: {  	s5 =	sshll.u32 s26, $0x1;
	_ =	strace $0x80000049;
	[dreg:$0x1] =	wrdreg $0xFFFFFFFF  }
0xad: {  	s28 =	simm.s32 $_size_execute0_lowered;
	s3 =	sadd.s32 s3, s5;
	[dreg:$0x0] =	wrdreg $0x0  }
0xae: {  	s5 =	sshll.u32 s28, $0x1;
	[dreg:$0x2] =	wrdreg s3  }
0xaf: {  	[dreg:$0x3] =	wrdreg s5  }
0xb0: {  	[dreg:$0x4] =	wrdreg $0xC0  }
0xb1: {  	_ =	task [dreg:s7], $0x5FFFF  }
0xb2: {  	[dreg:$0x1] =	wrdreg $0xFFFFFFFF  }
0xb3: {  	[dreg:$0x0] =	wrdreg $0x60  }
0xb4: {  	[dreg:$0x2] =	wrdreg s24  }
0xb5: {  	[dreg:$0x3] =	wrdreg s16  }
0xb6: {  	[dreg:$0x4] =	wrdreg $0x0  }
0xb7: {  	[dreg:$0x5] =	wrdreg $0x9  }
0xb8: {  	_ =	task.clear_ibuf [dreg:s7], $0x6FFFF;
	_ =	strace $0x90000049  }
0xb9: {  	s29 =	simm.s32 $0x9;
	_ =	strace $0x8000004B  }
0xba: {  	_ =	swait.ge [sflag:s29], $0x1  }
0xbb: {  	[sflag:s29] =	ssyncadd.s32 $0xFFFFFFFF  }
0xbc: {  	_ =	strace $0x9000004B  }
0xbd: {  	_ =	sfence  }
0xbe: {  	s30 =	sld [smem:$0x0];
	_ =	sdelay $0x2  }
0xbf: {  	s31 =	sshll.u32 s1, $0xD;
	s1 =	sshrl.u32 s1, $0x2  }
0xc0: {  	s3 =	sand.u32 $0x4000, s31;
	s1 =	sadd.s32 s1, s30  }
0xc1: {  	s0 =	sor.u32 s3, s0;
	s1 =	sshll.u32 s1, $0x11  }
0xc2: {  	s0 =	sor.u32 s1, s0  }
0xc3: {  	s0 =	sadd.s32 $0x8F2B, s0  }
0xc4: {  	[sflag:s0] =	ssyncadd.remote.s32 $0x1  }
0xc5: {  	_ =	sfence.sel $0xFFFF  }
0xc6: {  	[dreg:$0x0] =	wrdreg $0xFFFFFFFF;
	(pc) =	sbr.abs _section_cstart, $3  }
0xc7: {  	[dreg:$0x1] =	wrdreg $0xFFFFFFFF  }
0xc8: {  	_ =	task.clear_ibuf [dreg:s7], $0x2FFFF;
	_ =	strace $0x9FFFFFFF  }
0xc9: {  	(tm) =	ssettm $0x7FFFFFFF  }
tec
execute0_lowered:
.L_overlay_start_1:
0x0: {  	(tag) =	ssettag $0x1  }
0x1: {  	s0 =	rddreg [dreg:$0x0];
	s1 =	srdreg.scid  }
0x2: {  	s9 =	stileid.u32;
	s3 =	rddreg [dreg:$0x2];
	s4 =	simm.s32 $0x0  }
0x3: {  	s12 =	simm.s32 $0x1;
	s13 =	simm.s32 $0x16380;
	s14 =	simm.s32 $0x16780  }
0x4: {  	s15 =	simm.s32 $0x80;
	s16 =	simm.s32 $0x16B80;
	s17 =	simm.s32 $0x16400  }
0x5: {  	s18 =	simm.s32 $0x16800;
	s19 =	simm.s32 $0x16480;
	s20 =	simm.s32 $0x16880  }
0x6: {  	s21 =	simm.s32 $0x16500;
	s22 =	simm.s32 $0x16900;
	s28 =	simm.s32 $0x16680  }
0x7: {  	s29 =	simm.s32 $0x16A80;
	s30 =	simm.s32 $0x16700;
	s6 =	smul.u32 $0x1400, s9  }
0x8: {  	s31 =	simm.s32 $0x16B00;
	s1 =	sand.u32 $0x1, s1;
	s7 =	smul.u32 $0x16380, s9  }
0x9: {  	[smem:$0x7FF] =	sst s4;
	s5 =	sadd.s32 $0x16200, s0;
	s2 =	smul.u32 $0x14000, s1  }
0xa: {  	s25 =	sshll.u32 s9, $0x6;
	s8 =	smul.u32 $0x163800, s1;
	s1 =	ssub.s32 $0x2, s1  }
0xb: {  	_ =	strace $0x8000004A;
	s24 =	sshrl.u32 s1, $0x1;
	s2 =	sadd.s32 s6, s2  }
0xc: {  	s23 =	sadd.s32 s7, s8;
	s1 =	ssub.s32 s1, s24;
	s7 =	sadd.s32 s7, s3  }
0xd: {  	s24 =	simm.s32 $0x16980;
	s2 =	sshrl.u32 s2, $0x3;
	s6 =	sshrl.u32 s23, $0x3  }
0xe: {  	s26 =	smax.u32 s1, $0x1;
	s23 =	simm.s32 $0x16580;
	s1 =	simm.s32 $0x0  }
0xf: {  	s2 =	sadd.s32 s2, s0;
	s0 =	sadd.s32 s6, s0;
	s6 =	sor.u32 $0x1C01, s25  }
0x10: {  	[dreg:$0x5] =	wrdreg s26;
	s0 =	sadd.s32 $0x42200, s0;
	s9 =	sadd.s32 $0xC200, s2  }
0x11: {  	s10 =	sadd.s32 $0x11200, s2;
	s2 =	sshrl.u32 s7, $0x3;
	[dreg:$0x4] =	wrdreg s0  }
0x12: {  	s25 =	simm.s32 $0x16600;
	s26 =	simm.s32 $0x16A00;
	[dreg:$0x6] =	wrdreg s2  }
.LBB2_1:
0x13: {  	s0 =	rddreg [dreg:$0x1]  }
0x14: {  	[spmem:s2], [sflag:s6] =	dma.local [hbm:s0], $0x2C70  }
0x15: {  	_ =	swait.ge [sflag:s12], $0x2C70  }
0x16: {  	[sflag:s12] =	ssyncset.done $0x0  }
0x17: {  	[sflag:s12] =	ssyncadd.s32 $0xFFFFD390  }
0x18: {  	s7 =	sadd.s32 $0x0, s10;
	[bflag:$0x0] =	sbarrier.arrive $0xFFFF  }
0x19: {  	[tilespmem:s13], [sflag:$0x1] =	stream.linear.gather [hbm4b:s7+s4], $0x400, $0x38;
	[tilespmem:$0x1B380] =	vst v63  }
0x1a: {  	_ =	swait.ge [sflag:s12], $0x400  }
0x1b: {  	[sflag:s12] =	ssyncset.done $0x0  }
0x1c: {  	s8 =	sadd.s32 $0x0, s9;
	[sflag:s12] =	ssyncadd.s32 $0xFFFFFC00  }
0x1d: {  	[tilespmem:s14], [sflag:$0x1] =	stream.linear.gather [hbm4b:s8+s4], $0x400, $0x38;
	[tilespmem:$0x1B380] =	vst v63  }
0x1e: {  	_ =	swait.ge [sflag:s12], $0x400  }
0x1f: {  	[sflag:s12] =	ssyncset.done $0x0  }
0x20: {  	[sflag:s12] =	ssyncadd.s32 $0xFFFFFC00  }
0x21: {  	[tilespmem:s16], [sflag:$0x1] =	stream.indirect.gather [hbm4b:s5+s15], $0x90, s13, s15, $0xb8;
	[tilespmem:$0x1B380] =	vst v63  }
0x22: {  	_ =	swait.ge [sflag:s12], $0x4800  }
0x23: {  	[sflag:s12] =	ssyncset.done $0x0  }
0x24: {  	[sflag:s12] =	ssyncadd.s32 $0xFFFFB800  }
0x25: {  	[spmem:s3] =	stream.indirect.scatter.add.f32 [tilespmem:s16], [sflag:$0x1], $0x90, s14, s15, $0xb8;
	[tilespmem:$0x1B380] =	vst v63  }
0x26: {  	_ =	swait.ge [sflag:s12], $0x4800  }
0x27: {  	[sflag:s12] =	ssyncset.done $0x0  }
0x28: {  	[sflag:s12] =	ssyncadd.s32 $0xFFFFB800  }
0x29: {  	[tilespmem:s16], [sflag:$0x1] =	stream.indirect.gather [hbm4b:s5+s15], $0x90, s17, s15, $0xb8;
	[tilespmem:$0x1B380] =	vst v63  }
0x2a: {  	_ =	swait.ge [sflag:s12], $0x4800  }
0x2b: {  	[sflag:s12] =	ssyncset.done $0x0  }
0x2c: {  	[sflag:s12] =	ssyncadd.s32 $0xFFFFB800  }
0x2d: {  	[spmem:s3] =	stream.indirect.scatter.add.f32 [tilespmem:s16], [sflag:$0x1], $0x90, s18, s15, $0xb8;
	[tilespmem:$0x1B380] =	vst v63  }
0x2e: {  	_ =	swait.ge [sflag:s12], $0x4800  }
0x2f: {  	[sflag:s12] =	ssyncset.done $0x0  }
0x30: {  	[sflag:s12] =	ssyncadd.s32 $0xFFFFB800  }
0x31: {  	[tilespmem:s16], [sflag:$0x1] =	stream.indirect.gather [hbm4b:s5+s15], $0x90, s19, s15, $0xb8;
	[tilespmem:$0x1B380] =	vst v63  }
0x32: {  	_ =	swait.ge [sflag:s12], $0x4800  }
0x33: {  	[sflag:s12] =	ssyncset.done $0x0  }
0x34: {  	[sflag:s12] =	ssyncadd.s32 $0xFFFFB800  }
0x35: {  	[spmem:s3] =	stream.indirect.scatter.add.f32 [tilespmem:s16], [sflag:$0x1], $0x90, s20, s15, $0xb8;
	[tilespmem:$0x1B380] =	vst v63  }
0x36: {  	_ =	swait.ge [sflag:s12], $0x4800  }
0x37: {  	[sflag:s12] =	ssyncset.done $0x0  }
0x38: {  	[sflag:s12] =	ssyncadd.s32 $0xFFFFB800  }
0x39: {  	[tilespmem:s16], [sflag:$0x1] =	stream.indirect.gather [hbm4b:s5+s15], $0x90, s21, s15, $0xb8;
	[tilespmem:$0x1B380] =	vst v63  }
0x3a: {  	_ =	swait.ge [sflag:s12], $0x4800  }
0x3b: {  	[sflag:s12] =	ssyncset.done $0x0  }
0x3c: {  	[sflag:s12] =	ssyncadd.s32 $0xFFFFB800  }
0x3d: {  	[spmem:s3] =	stream.indirect.scatter.add.f32 [tilespmem:s16], [sflag:$0x1], $0x90, s22, s15, $0xb8;
	[tilespmem:$0x1B380] =	vst v63  }
0x3e: {  	_ =	swait.ge [sflag:s12], $0x4800  }
0x3f: {  	[sflag:s12] =	ssyncset.done $0x0  }
0x40: {  	[sflag:s12] =	ssyncadd.s32 $0xFFFFB800  }
0x41: {  	[tilespmem:s16], [sflag:$0x1] =	stream.indirect.gather [hbm4b:s5+s15], $0x90, s23, s15, $0xb8;
	[tilespmem:$0x1B380] =	vst v63  }
0x42: {  	_ =	swait.ge [sflag:s12], $0x4800  }
0x43: {  	[sflag:s12] =	ssyncset.done $0x0  }
0x44: {  	[sflag:s12] =	ssyncadd.s32 $0xFFFFB800  }
0x45: {  	[spmem:s3] =	stream.indirect.scatter.add.f32 [tilespmem:s16], [sflag:$0x1], $0x90, s24, s15, $0xb8;
	[tilespmem:$0x1B380] =	vst v63  }
0x46: {  	_ =	swait.ge [sflag:s12], $0x4800  }
0x47: {  	[sflag:s12] =	ssyncset.done $0x0  }
0x48: {  	[sflag:s12] =	ssyncadd.s32 $0xFFFFB800  }
0x49: {  	[tilespmem:s16], [sflag:$0x1] =	stream.indirect.gather [hbm4b:s5+s15], $0x90, s25, s15, $0xb8;
	[tilespmem:$0x1B380] =	vst v63  }
0x4a: {  	_ =	swait.ge [sflag:s12], $0x4800  }
0x4b: {  	[sflag:s12] =	ssyncset.done $0x0  }
0x4c: {  	[sflag:s12] =	ssyncadd.s32 $0xFFFFB800  }
0x4d: {  	[spmem:s3] =	stream.indirect.scatter.add.f32 [tilespmem:s16], [sflag:$0x1], $0x90, s26, s15, $0xb8;
	[tilespmem:$0x1B380] =	vst v63  }
0x4e: {  	_ =	swait.ge [sflag:s12], $0x4800  }
0x4f: {  	[sflag:s12] =	ssyncset.done $0x0  }
0x50: {  	[sflag:s12] =	ssyncadd.s32 $0xFFFFB800  }
0x51: {  	[tilespmem:s16], [sflag:$0x1] =	stream.indirect.gather [hbm4b:s5+s15], $0x90, s28, s15, $0xb8;
	[tilespmem:$0x1B380] =	vst v63  }
0x52: {  	_ =	swait.ge [sflag:s12], $0x4800  }
0x53: {  	[sflag:s12] =	ssyncset.done $0x0  }
0x54: {  	[sflag:s12] =	ssyncadd.s32 $0xFFFFB800  }
0x55: {  	[spmem:s3] =	stream.indirect.scatter.add.f32 [tilespmem:s16], [sflag:$0x1], $0x90, s29, s15, $0xb8;
	[tilespmem:$0x1B380] =	vst v63  }
0x56: {  	_ =	swait.ge [sflag:s12], $0x4800  }
0x57: {  	[sflag:s12] =	ssyncset.done $0x0  }
0x58: {  	[sflag:s12] =	ssyncadd.s32 $0xFFFFB800  }
0x59: {  	[tilespmem:s16], [sflag:$0x1] =	stream.indirect.gather [hbm4b:s5+s15], $0x90, s30, s15, $0xb8;
	[tilespmem:$0x1B380] =	vst v63  }
0x5a: {  	_ =	swait.ge [sflag:s12], $0x4800  }
0x5b: {  	[sflag:s12] =	ssyncset.done $0x0  }
0x5c: {  	[sflag:s12] =	ssyncadd.s32 $0xFFFFB800  }
0x5d: {  	[spmem:s3] =	stream.indirect.scatter.add.f32 [tilespmem:s16], [sflag:$0x1], $0x90, s31, s15, $0xb8;
	[tilespmem:$0x1B380] =	vst v63  }
0x5e: {  	s11 =	smov.u32 s6;
	_ =	swait.ge [sflag:s12], $0x4800  }
0x5f: {  	s0 =	simm.s32 $0x80;
	s2 =	simm.s32 $0x100;
	[sflag:s12] =	ssyncset.done $0x0  }
.LBB2_2:
0x60: {  	s8 =	sadd.s32 s0, s10  }
0x61: {  	[sflag:s12] =	ssyncadd.s32 $0xFFFFB800;
	s6 =	smov.u32 s2;
	s7 =	sadd.s32 $0x80, s2  }
0x62: {  	[tilespmem:s13], [sflag:$0x1] =	stream.linear.gather [hbm4b:s8+s4], $0x400, $0x38;
	[tilespmem:$0x1B380] =	vst v63  }
0x63: {  	p0 =	sne.s32 s2, $0x200;
	_ =	swait.ge [sflag:s12], $0x400  }
0x64: {  	[sflag:s12] =	ssyncset.done $0x0  }
0x65: {  	s2 =	sadd.s32 s0, s9;
	s0 =	smov.u32 s6;
	[sflag:s12] =	ssyncadd.s32 $0xFFFFFC00  }
0x66: {  	[tilespmem:s14], [sflag:$0x1] =	stream.linear.gather [hbm4b:s2+s4], $0x400, $0x38;
	[tilespmem:$0x1B380] =	vst v63  }
0x67: {  	_ =	swait.ge [sflag:s12], $0x400  }
0x68: {  	[sflag:s12] =	ssyncset.done $0x0  }
0x69: {  	[sflag:s12] =	ssyncadd.s32 $0xFFFFFC00  }
0x6a: {  	[tilespmem:s16], [sflag:$0x1] =	stream.indirect.gather [hbm4b:s5+s15], $0x90, s13, s15, $0xb8;
	[tilespmem:$0x1B380] =	vst v63  }
0x6b: {  	_ =	swait.ge [sflag:s12], $0x4800  }
0x6c: {  	[sflag:s12] =	ssyncset.done $0x0  }
0x6d: {  	[sflag:s12] =	ssyncadd.s32 $0xFFFFB800  }
0x6e: {  	[spmem:s3] =	stream.indirect.scatter.add.f32 [tilespmem:s16], [sflag:$0x1], $0x90, s14, s15, $0xb8;
	[tilespmem:$0x1B380] =	vst v63  }
0x6f: {  	_ =	swait.ge [sflag:s12], $0x4800  }
0x70: {  	[sflag:s12] =	ssyncset.done $0x0  }
0x71: {  	[sflag:s12] =	ssyncadd.s32 $0xFFFFB800  }
0x72: {  	[tilespmem:s16], [sflag:$0x1] =	stream.indirect.gather [hbm4b:s5+s15], $0x90, s17, s15, $0xb8;
	[tilespmem:$0x1B380] =	vst v63  }
0x73: {  	_ =	swait.ge [sflag:s12], $0x4800  }
0x74: {  	[sflag:s12] =	ssyncset.done $0x0  }
0x75: {  	[sflag:s12] =	ssyncadd.s32 $0xFFFFB800  }
0x76: {  	[spmem:s3] =	stream.indirect.scatter.add.f32 [tilespmem:s16], [sflag:$0x1], $0x90, s18, s15, $0xb8;
	[tilespmem:$0x1B380] =	vst v63  }
0x77: {  	_ =	swait.ge [sflag:s12], $0x4800  }
0x78: {  	[sflag:s12] =	ssyncset.done $0x0  }
0x79: {  	[sflag:s12] =	ssyncadd.s32 $0xFFFFB800  }
0x7a: {  	[tilespmem:s16], [sflag:$0x1] =	stream.indirect.gather [hbm4b:s5+s15], $0x90, s19, s15, $0xb8;
	[tilespmem:$0x1B380] =	vst v63  }
0x7b: {  	_ =	swait.ge [sflag:s12], $0x4800  }
0x7c: {  	[sflag:s12] =	ssyncset.done $0x0  }
0x7d: {  	[sflag:s12] =	ssyncadd.s32 $0xFFFFB800  }
0x7e: {  	[spmem:s3] =	stream.indirect.scatter.add.f32 [tilespmem:s16], [sflag:$0x1], $0x90, s20, s15, $0xb8;
	[tilespmem:$0x1B380] =	vst v63  }
0x7f: {  	_ =	swait.ge [sflag:s12], $0x4800  }
0x80: {  	[sflag:s12] =	ssyncset.done $0x0  }
0x81: {  	[sflag:s12] =	ssyncadd.s32 $0xFFFFB800  }
0x82: {  	[tilespmem:s16], [sflag:$0x1] =	stream.indirect.gather [hbm4b:s5+s15], $0x90, s21, s15, $0xb8;
	[tilespmem:$0x1B380] =	vst v63  }
0x83: {  	_ =	swait.ge [sflag:s12], $0x4800  }
0x84: {  	[sflag:s12] =	ssyncset.done $0x0  }
0x85: {  	[sflag:s12] =	ssyncadd.s32 $0xFFFFB800  }
0x86: {  	[spmem:s3] =	stream.indirect.scatter.add.f32 [tilespmem:s16], [sflag:$0x1], $0x90, s22, s15, $0xb8;
	[tilespmem:$0x1B380] =	vst v63  }
0x87: {  	_ =	swait.ge [sflag:s12], $0x4800  }
0x88: {  	[sflag:s12] =	ssyncset.done $0x0  }
0x89: {  	[sflag:s12] =	ssyncadd.s32 $0xFFFFB800  }
0x8a: {  	[tilespmem:s16], [sflag:$0x1] =	stream.indirect.gather [hbm4b:s5+s15], $0x90, s23, s15, $0xb8;
	[tilespmem:$0x1B380] =	vst v63  }
0x8b: {  	_ =	swait.ge [sflag:s12], $0x4800  }
0x8c: {  	[sflag:s12] =	ssyncset.done $0x0  }
0x8d: {  	[sflag:s12] =	ssyncadd.s32 $0xFFFFB800  }
0x8e: {  	[spmem:s3] =	stream.indirect.scatter.add.f32 [tilespmem:s16], [sflag:$0x1], $0x90, s24, s15, $0xb8;
	[tilespmem:$0x1B380] =	vst v63  }
0x8f: {  	_ =	swait.ge [sflag:s12], $0x4800  }
0x90: {  	[sflag:s12] =	ssyncset.done $0x0  }
0x91: {  	[sflag:s12] =	ssyncadd.s32 $0xFFFFB800  }
0x92: {  	[tilespmem:s16], [sflag:$0x1] =	stream.indirect.gather [hbm4b:s5+s15], $0x90, s25, s15, $0xb8;
	[tilespmem:$0x1B380] =	vst v63  }
0x93: {  	_ =	swait.ge [sflag:s12], $0x4800  }
0x94: {  	[sflag:s12] =	ssyncset.done $0x0  }
0x95: {  	[sflag:s12] =	ssyncadd.s32 $0xFFFFB800  }
0x96: {  	[spmem:s3] =	stream.indirect.scatter.add.f32 [tilespmem:s16], [sflag:$0x1], $0x90, s26, s15, $0xb8;
	[tilespmem:$0x1B380] =	vst v63  }
0x97: {  	_ =	swait.ge [sflag:s12], $0x4800  }
0x98: {  	[sflag:s12] =	ssyncset.done $0x0  }
0x99: {  	[sflag:s12] =	ssyncadd.s32 $0xFFFFB800  }
0x9a: {  	[tilespmem:s16], [sflag:$0x1] =	stream.indirect.gather [hbm4b:s5+s15], $0x90, s28, s15, $0xb8;
	[tilespmem:$0x1B380] =	vst v63  }
0x9b: {  	_ =	swait.ge [sflag:s12], $0x4800  }
0x9c: {  	[sflag:s12] =	ssyncset.done $0x0  }
0x9d: {  	[sflag:s12] =	ssyncadd.s32 $0xFFFFB800  }
0x9e: {  	[spmem:s3] =	stream.indirect.scatter.add.f32 [tilespmem:s16], [sflag:$0x1], $0x90, s29, s15, $0xb8;
	[tilespmem:$0x1B380] =	vst v63  }
0x9f: {  	_ =	swait.ge [sflag:s12], $0x4800  }
0xa0: {  	[sflag:s12] =	ssyncset.done $0x0  }
0xa1: {  	[sflag:s12] =	ssyncadd.s32 $0xFFFFB800  }
0xa2: {  	[tilespmem:s16], [sflag:$0x1] =	stream.indirect.gather [hbm4b:s5+s15], $0x90, s30, s15, $0xb8;
	[tilespmem:$0x1B380] =	vst v63  }
0xa3: {  	_ =	swait.ge [sflag:s12], $0x4800  }
.Ltmp0:
0xa4: {  	[sflag:s12] =	ssyncset.done $0x0;
	(pc) =	sbr.rel @p0 .LBB2_2-.Ltmp0, $4  }
0xa5: {  	[sflag:s12] =	ssyncadd.s32 $0xFFFFB800  }
0xa6: {  	[spmem:s3] =	stream.indirect.scatter.add.f32 [tilespmem:s16], [sflag:$0x1], $0x90, s31, s15, $0xb8;
	[tilespmem:$0x1B380] =	vst v63  }
0xa7: {  	_ =	swait.ge [sflag:s12], $0x4800  }
0xa8: {  	s2 =	smov.u32 s7;
	[sflag:s12] =	ssyncset.done $0x0  }
0xa9: {  	s2 =	sadd.s32 s0, s10;
	[sflag:s12] =	ssyncadd.s32 $0xFFFFB800  }
0xaa: {  	[tilespmem:s13], [sflag:$0x1] =	stream.linear.gather [hbm4b:s2+s4], $0x400, $0x38;
	[tilespmem:$0x1B380] =	vst v63  }
0xab: {  	_ =	swait.ge [sflag:s12], $0x400  }
0xac: {  	[sflag:s12] =	ssyncset.done $0x0  }
0xad: {  	s7 =	sadd.s32 s0, s9;
	[sflag:s12] =	ssyncadd.s32 $0xFFFFFC00  }
0xae: {  	[tilespmem:s14], [sflag:$0x1] =	stream.linear.gather [hbm4b:s7+s4], $0x400, $0x38;
	[tilespmem:$0x1B380] =	vst v63  }
0xaf: {  	_ =	swait.ge [sflag:s12], $0x400  }
0xb0: {  	[sflag:s12] =	ssyncset.done $0x0  }
0xb1: {  	[sflag:s12] =	ssyncadd.s32 $0xFFFFFC00  }
0xb2: {  	[tilespmem:s16], [sflag:$0x1] =	stream.indirect.gather [hbm4b:s5+s15], $0x90, s13, s15, $0xb8;
	[tilespmem:$0x1B380] =	vst v63  }
0xb3: {  	_ =	swait.ge [sflag:s12], $0x4800  }
0xb4: {  	[sflag:s12] =	ssyncset.done $0x0  }
0xb5: {  	[sflag:s12] =	ssyncadd.s32 $0xFFFFB800  }
0xb6: {  	[spmem:s3] =	stream.indirect.scatter.add.f32 [tilespmem:s16], [sflag:$0x1], $0x90, s14, s15, $0xb8;
	[tilespmem:$0x1B380] =	vst v63  }
0xb7: {  	_ =	swait.ge [sflag:s12], $0x4800  }
0xb8: {  	[sflag:s12] =	ssyncset.done $0x0  }
0xb9: {  	[sflag:s12] =	ssyncadd.s32 $0xFFFFB800  }
0xba: {  	[tilespmem:s16], [sflag:$0x1] =	stream.indirect.gather [hbm4b:s5+s15], $0x90, s17, s15, $0xb8;
	[tilespmem:$0x1B380] =	vst v63  }
0xbb: {  	_ =	swait.ge [sflag:s12], $0x4800  }
0xbc: {  	[sflag:s12] =	ssyncset.done $0x0  }
0xbd: {  	[sflag:s12] =	ssyncadd.s32 $0xFFFFB800  }
0xbe: {  	[spmem:s3] =	stream.indirect.scatter.add.f32 [tilespmem:s16], [sflag:$0x1], $0x90, s18, s15, $0xb8;
	[tilespmem:$0x1B380] =	vst v63  }
0xbf: {  	_ =	swait.ge [sflag:s12], $0x4800  }
0xc0: {  	[sflag:s12] =	ssyncset.done $0x0  }
0xc1: {  	[sflag:s12] =	ssyncadd.s32 $0xFFFFB800  }
0xc2: {  	[tilespmem:s16], [sflag:$0x1] =	stream.indirect.gather [hbm4b:s5+s15], $0x90, s19, s15, $0xb8;
	[tilespmem:$0x1B380] =	vst v63  }
0xc3: {  	_ =	swait.ge [sflag:s12], $0x4800  }
0xc4: {  	[sflag:s12] =	ssyncset.done $0x0  }
0xc5: {  	[sflag:s12] =	ssyncadd.s32 $0xFFFFB800  }
0xc6: {  	[spmem:s3] =	stream.indirect.scatter.add.f32 [tilespmem:s16], [sflag:$0x1], $0x90, s20, s15, $0xb8;
	[tilespmem:$0x1B380] =	vst v63  }
0xc7: {  	_ =	swait.ge [sflag:s12], $0x4800  }
0xc8: {  	[sflag:s12] =	ssyncset.done $0x0  }
0xc9: {  	[sflag:s12] =	ssyncadd.s32 $0xFFFFB800  }
0xca: {  	[tilespmem:s16], [sflag:$0x1] =	stream.indirect.gather [hbm4b:s5+s15], $0x90, s21, s15, $0xb8;
	[tilespmem:$0x1B380] =	vst v63  }
0xcb: {  	_ =	swait.ge [sflag:s12], $0x4800  }
0xcc: {  	[sflag:s12] =	ssyncset.done $0x0  }
0xcd: {  	[sflag:s12] =	ssyncadd.s32 $0xFFFFB800  }
0xce: {  	[spmem:s3] =	stream.indirect.scatter.add.f32 [tilespmem:s16], [sflag:$0x1], $0x90, s22, s15, $0xb8;
	[tilespmem:$0x1B380] =	vst v63  }
0xcf: {  	_ =	swait.ge [sflag:s12], $0x4800  }
0xd0: {  	[sflag:s12] =	ssyncset.done $0x0  }
0xd1: {  	[sflag:s12] =	ssyncadd.s32 $0xFFFFB800  }
0xd2: {  	[tilespmem:s16], [sflag:$0x1] =	stream.indirect.gather [hbm4b:s5+s15], $0x90, s23, s15, $0xb8;
	[tilespmem:$0x1B380] =	vst v63  }
0xd3: {  	_ =	swait.ge [sflag:s12], $0x4800  }
0xd4: {  	[sflag:s12] =	ssyncset.done $0x0  }
0xd5: {  	[sflag:s12] =	ssyncadd.s32 $0xFFFFB800  }
0xd6: {  	[spmem:s3] =	stream.indirect.scatter.add.f32 [tilespmem:s16], [sflag:$0x1], $0x90, s24, s15, $0xb8;
	[tilespmem:$0x1B380] =	vst v63  }
0xd7: {  	_ =	swait.ge [sflag:s12], $0x4800  }
0xd8: {  	[sflag:s12] =	ssyncset.done $0x0  }
0xd9: {  	[sflag:s12] =	ssyncadd.s32 $0xFFFFB800  }
0xda: {  	[tilespmem:s16], [sflag:$0x1] =	stream.indirect.gather [hbm4b:s5+s15], $0x90, s25, s15, $0xb8;
	[tilespmem:$0x1B380] =	vst v63  }
0xdb: {  	_ =	swait.ge [sflag:s12], $0x4800  }
0xdc: {  	[sflag:s12] =	ssyncset.done $0x0  }
0xdd: {  	[sflag:s12] =	ssyncadd.s32 $0xFFFFB800  }
0xde: {  	[spmem:s3] =	stream.indirect.scatter.add.f32 [tilespmem:s16], [sflag:$0x1], $0x90, s26, s15, $0xb8;
	[tilespmem:$0x1B380] =	vst v63  }
0xdf: {  	_ =	swait.ge [sflag:s12], $0x4800  }
0xe0: {  	[sflag:s12] =	ssyncset.done $0x0  }
0xe1: {  	[sflag:s12] =	ssyncadd.s32 $0xFFFFB800  }
0xe2: {  	[tilespmem:s16], [sflag:$0x1] =	stream.indirect.gather [hbm4b:s5+s15], $0x90, s28, s15, $0xb8;
	[tilespmem:$0x1B380] =	vst v63  }
0xe3: {  	_ =	swait.ge [sflag:s12], $0x4800  }
0xe4: {  	[sflag:s12] =	ssyncset.done $0x0  }
0xe5: {  	[sflag:s12] =	ssyncadd.s32 $0xFFFFB800  }
0xe6: {  	[spmem:s3] =	stream.indirect.scatter.add.f32 [tilespmem:s16], [sflag:$0x1], $0x90, s29, s15, $0xb8;
	[tilespmem:$0x1B380] =	vst v63  }
0xe7: {  	_ =	swait.ge [sflag:s12], $0x4800  }
0xe8: {  	[sflag:s12] =	ssyncset.done $0x0  }
0xe9: {  	[sflag:s12] =	ssyncadd.s32 $0xFFFFB800  }
0xea: {  	[tilespmem:s16], [sflag:$0x1] =	stream.indirect.gather [hbm4b:s5+s15], $0x90, s30, s15, $0xb8;
	[tilespmem:$0x1B380] =	vst v63  }
0xeb: {  	_ =	swait.ge [sflag:s12], $0x4800  }
0xec: {  	[sflag:s12] =	ssyncset.done $0x0  }
0xed: {  	[sflag:s12] =	ssyncadd.s32 $0xFFFFB800  }
0xee: {  	[spmem:s3] =	stream.indirect.scatter.add.f32 [tilespmem:s16], [sflag:$0x1], $0x90, s31, s15, $0xb8;
	[tilespmem:$0x1B380] =	vst v63  }
0xef: {  	_ =	swait.ge [sflag:s12], $0x4800  }
0xf0: {  	[sflag:s12] =	ssyncset.done $0x0  }
0xf1: {  	[sflag:s12] =	ssyncadd.s32 $0xFFFFB800  }
0xf2: {  	[bflag:$0x0] =	sbarrier.arrive $0xFFFF  }
0xf3: {  	s8 =	rddreg [dreg:$0x4]  }
0xf4: {  	s2 =	rddreg [dreg:$0x6]  }
0xf5: {  	[hbm:s8], [sflag:s11] =	dma.local [spmem:s2], $0x2C70  }
0xf6: {  	_ =	swait.ge [sflag:s12], $0x2C70  }
0xf7: {  	s6 =	smov.u32 s11;
	s1 =	sadd.s32 $0x1, s1;
	s11 =	rddreg [dreg:$0x5]  }
0xf8: {  	p0 =	sne.s32 s1, s11  }
.Ltmp1:
0xf9: {  	_ = 	snop;
	(pc) =	sbr.rel @p0 .LBB2_1-.Ltmp1, $3  }
0xfa: {  	_ =	sdelay $0x1  }
0xfb: {  	[sflag:s12] =	ssyncset.done $0x0  }
0xfc: {  	[sflag:s12] =	ssyncadd.s32 $0xFFFFD390  }
0xfd: {  	_ =	sfence.sel $0x180000  }
0xfe: {  	[bflag:$0x0] =	sbarrier.arrive $0xFFFF  }
0xff: {  	_ =	strace $0x9000004A  }
0x100: {  	s0 =	stileid.u32;
	[bflag:$0x2] =	sbarrier.arrive $0xFFFF  }
0x101: {  	p0 =	sne.s32 s0, $0x0;
	s0 =	rddreg [dreg:$0x3]  }
0x102: {  	s0 =	sadd.s32 @!p0 $0x100000, s0  }
0x103: {  	[sflag:s0] =	ssyncadd.tile.s32 @!p0 $0x1;
	_ =	shalt  }
.Lfunc_end2:
_tile_overlayer_lowered:
.L_overlay_start_2:
0x104: {  	(tag) =	ssettag $0x2  }
0x105: {  	s0 =	rddreg [dreg:$0x0];
	s2 =	stileid.u32  }
0x106: {  	s1 =	rddreg [dreg:$0x1];
	p0 =	sne.s32 s2, $0x0  }
0x107: {  	s3 =	rddreg [dreg:$0x2];
	[bflag:$0x3] =	sbarrier.arrive $0xFFFF;
	s2 =	simm.s32 @!p0 $0x1C01  }
0x108: {  	[timem:s3], [sflag:s2] =	dma.local @!p0 [hbm:s0], s1  }
0x109: {  	s0 =	simm.s32 @!p0 $0x1  }
0x10a: {  	_ =	swait.ge @!p0 [sflag:s0], s1  }
0x10b: {  	s1 =	ssub.s32 @!p0 $0x0, s1;
	[sflag:s0] =	ssyncset.done @!p0 $0x0  }
0x10c: {  	[sflag:s0] =	ssyncadd.s32 @!p0 s1  }
0x10d: {  	[bflag:$0x3] =	sbarrier.arrive $0xFFFF  }
0x10e: {  	_ =	shalt  }

// kernel: kernel.7.cloned.1.call-start
scs
__scs_entry_jumppad:
0x0: {  	(pc) =	sbr.rel $0x88, $3  }
0x1: {  	(tag) =	ssettag $0x0;
	lr =	simm.s32 $0x1  }
0x2: {  	[smem:$0x3F97] =	sst lr;
	_ =	strace $0xD0000000  }
0x3: {  	_ = 	snop  }
0x4: {  	_ = 	snop  }
0x5: {  	_ = 	snop  }
0x6: {  	_ = 	snop  }
0x7: {  	_ = 	snop  }
__scs_overlays_trampoline_lowered:
0x8: {  	[smem:$0x3FA6] =	sst s0  }
0x9: {  	[smem:$0x3FA7] =	sst s1  }
0xa: {  	[smem:$0x3FA8] =	sst s2  }
0xb: {  	[smem:$0x3FA9] =	sst s3  }
0xc: {  	[smem:$0x3FAA] =	sst s4  }
0xd: {  	[smem:$0x3FAB] =	sst s5  }
0xe: {  	[smem:$0x3FAC] =	sst s6  }
0xf: {  	[smem:$0x3FAD] =	sst s7  }
0x10: {  	[smem:$0x3FAE] =	sst s8  }
0x11: {  	[smem:$0x3FAF] =	sst s9;
	s0 =	simm.s32 @!p0 $0x0  }
0x12: {  	s1 =	sld [smem:$0x3F95];
	s0 =	simm.s32 @p0 $0x1  }
0x13: {  	[smem:$0x3FB0] =	sst s0;
	s0 =	simm.s32 @!p1 $0x0  }
0x14: {  	s2 =	sld [smem:$0x3F94];
	s0 =	simm.s32 @p1 $0x1  }
0x15: {  	[smem:$0x3FB1] =	sst s0;
	s0 =	simm.s32 @!p2 $0x0  }
0x16: {  	s3 =	sld [smem:$0x3FDB];
	s0 =	simm.s32 @p2 $0x1  }
0x17: {  	s4 =	simm.s32 $0x1BF5;
	[smem:$0x3FB3] =	sst s0  }
0x18: {  	s0 =	sld [smem:$0x3F96];
	_ =	swait.ge [sflag:s4], $0x0  }
0x19: {  	s7 =	sld [smem:$0x3F97]  }
0x1a: {  	s8 =	sadd.s32 $0xFFFFE003, lr  }
0x1b: {  	s9 =	sadd.s32 $0xFFFFFEF7, lr;
	s5 =	simm.s32 $0xFFFFFFFF;
	p2 =	slt.u32 s8, $0xFFFFF086  }
0x1c: {  	p1 =	slt.u32 s9, $0xF7A;
	s5 =	simm.s32 @!p2 $0x0  }
0x1d: {  	s5 =	simm.s32 @p1 $0x1;
	p0 =	seq.s32 s7, s2  }
0x1e: {  	s7 =	smul.u32 @!p0 $0xF7A, s2;
	p2 =	seq.s32 @!p0 s5, $0x0  }
0x1f: {  	s9 =	smul.u32 $0xF7A, s1;
	s8 =	simm.s32 @!p0 $0x1BF5;
	p2 =	por !p2, p0  }
0x20: {  	[sflag:s8] =	ssyncset.s32 @!p0 $0xFFFFF086;
	s6 =	sadd.s32 @!p0 s3, s7;
	s7 =	simm.s32 @!p0 $0x108  }
0x21: {  	s3 =	sadd.s32 s3, s9;
	s6 =	sadd.s32 @!p0 $0x88, s6;
	s7 =	simm.s32 @p2 $0x1082  }
0x22: {  	[simem:s7], [sflag:s8] =	dma.local @!p0 [hbm:s6], $0xF7A  }
0x23: {  	s9 =	sor.u32 $0xD0000000, s2;
	s6 =	simm.s32 $0x108;
	_ =	swait.ge @!p0 [sflag:s8], $0x0  }
0x24: {  	s3 =	sadd.s32 $0x88, s3;
	s6 =	simm.s32 @!p1 $0x1082;
	[sflag:s4] =	ssyncset.s32 $0xFFFFF086  }
0x25: {  	[simem:s6], [sflag:s4] =	dma.local [hbm:s3], $0xF7A  }
0x26: {  	[smem:$0x3F97] =	sst s1;
	(tag) =	ssettag s2;
	_ =	strace s9  }
0x27: {  	s1 =	sld [smem:$0x3FA7]  }
0x28: {  	s2 =	sld [smem:$0x3FA8]  }
0x29: {  	s4 =	sld [smem:$0x3FAA]  }
0x2a: {  	p0 =	seq.s32 s5, $0x0;
	s5 =	sld [smem:$0x3FAB]  }
0x2b: {  	s6 =	sld [smem:$0x3FAC]  }
0x2c: {  	s7 =	sld [smem:$0x3FAD]  }
0x2d: {  	s3 =	simm.s32 $0x108;
	s8 =	sld [smem:$0x3FAE]  }
0x2e: {  	s3 =	simm.s32 @!p0 $0x1082;
	s9 =	sld [smem:$0x3FAF]  }
0x2f: {  	lr =	sadd.s32 s0, s3;
	s0 =	sld [smem:$0x3FA6]  }
0x30: {  	s3 =	sld [smem:$0x3FA9]  }
0x31: {  	[smem:$0x3FB2] =	sst s10  }
0x32: {  	s10 =	sld [smem:$0x3FB0];
	_ =	sdelay $0x3  }
0x33: {  	p0 =	seq.s32 s10, $0x1;
	s10 =	sld [smem:$0x3FB2];
	_ =	sdelay $0x3  }
0x34: {  	[smem:$0x3FB2] =	sst s10  }
0x35: {  	s10 =	sld [smem:$0x3FB1];
	_ =	sdelay $0x3  }
0x36: {  	p1 =	seq.s32 s10, $0x1;
	s10 =	sld [smem:$0x3FB2];
	_ =	sdelay $0x3  }
0x37: {  	[smem:$0x3FB2] =	sst s10  }
0x38: {  	s10 =	sld [smem:$0x3FB3]  }
0x39: {  	_ = 	snop;
	(pc) =	sbr.ind lr, $3  }
0x3a: {  	_ = 	snop  }
0x3b: {  	_ = 	snop  }
0x3c: {  	p2 =	seq.s32 s10, $0x1;
	s10 =	sld [smem:$0x3FB2]  }
0x3d: {  	_ =	shalt  }
0x3e: {  	_ =	shalt  }
0x3f: {  	_ =	shalt  }
0x40: {  	_ =	shalt  }
0x41: {  	_ =	shalt  }
0x42: {  	_ =	shalt  }
0x43: {  	_ =	shalt  }
0x44: {  	_ =	shalt  }
0x45: {  	_ =	shalt  }
0x46: {  	_ =	shalt  }
0x47: {  	_ =	shalt  }
0x48: {  	_ =	shalt  }
0x49: {  	_ =	shalt  }
0x4a: {  	_ =	shalt  }
0x4b: {  	_ =	shalt  }
0x4c: {  	_ =	shalt  }
0x4d: {  	_ =	shalt  }
0x4e: {  	_ =	shalt  }
0x4f: {  	_ =	shalt  }
0x50: {  	_ =	shalt  }
0x51: {  	_ =	shalt  }
0x52: {  	_ =	shalt  }
0x53: {  	_ =	shalt  }
0x54: {  	_ =	shalt  }
0x55: {  	_ =	shalt  }
0x56: {  	_ =	shalt  }
0x57: {  	_ =	shalt  }
0x58: {  	_ =	shalt  }
0x59: {  	_ =	shalt  }
0x5a: {  	_ =	shalt  }
0x5b: {  	_ =	shalt  }
0x5c: {  	_ =	shalt  }
0x5d: {  	_ =	shalt  }
0x5e: {  	_ =	shalt  }
0x5f: {  	_ =	shalt  }
0x60: {  	_ =	shalt  }
0x61: {  	_ =	shalt  }
0x62: {  	_ =	shalt  }
0x63: {  	_ =	shalt  }
0x64: {  	_ =	shalt  }
0x65: {  	_ =	shalt  }
0x66: {  	_ =	shalt  }
0x67: {  	_ =	shalt  }
0x68: {  	_ =	shalt  }
0x69: {  	_ =	shalt  }
0x6a: {  	_ =	shalt  }
0x6b: {  	_ =	shalt  }
0x6c: {  	_ =	shalt  }
0x6d: {  	_ =	shalt  }
0x6e: {  	_ =	shalt  }
0x6f: {  	_ =	shalt  }
0x70: {  	_ =	shalt  }
0x71: {  	_ =	shalt  }
0x72: {  	_ =	shalt  }
0x73: {  	_ =	shalt  }
0x74: {  	_ =	shalt  }
0x75: {  	_ =	shalt  }
0x76: {  	_ =	shalt  }
0x77: {  	_ =	shalt  }
0x78: {  	_ =	shalt  }
0x79: {  	_ =	shalt  }
0x7a: {  	_ =	shalt  }
0x7b: {  	_ =	shalt  }
0x7c: {  	_ =	shalt  }
0x7d: {  	_ =	shalt  }
0x7e: {  	_ =	shalt  }
0x7f: {  	_ =	shalt  }
0x80: {  	_ =	shalt  }
0x81: {  	_ =	shalt  }
0x82: {  	_ =	shalt  }
0x83: {  	_ =	shalt  }
0x84: {  	_ =	shalt  }
0x85: {  	_ =	shalt  }
0x86: {  	_ =	shalt  }
0x87: {  	_ =	shalt  }
.Lfunc_end0:
.L_simem_size_0:
called_computation_lowered:
.L_overlay_start_0:
0x88: {  	s2 =	sld [smem:$0x3FD9]  }
0x89: {  	s3 =	sld [smem:$0x3FFE];
	_ =	sdelay $0x1  }
0x8a: {  	s1 =	srdreg.scid  }
0x8b: {  	s0 =	sand.u32 $0x1, s1  }
0x8c: {  	s14 =	sshll.u32 s0, $0xA;
	s2 =	sadd.s32 s3, s2  }
0x8d: {  	s2 =	sadd.s32 s2, s14  }
0x8e: {  	[smem:$0x3FBE] =	sst s2  }
0x8f: {  	_ = 	snop  }
0x90: {  	s2 =	sld [smem:$0x3FD0];
	_ =	sdelay $0x2  }
0x91: {  	s15 =	simm.s32 $0xA;
	s4 =	simm.s32 $0x10  }
0x92: {  	[smem:s4], [sflag:s15] =	dma.local [hbm:s2], $0x1  }
0x93: {  	_ =	swait.eq [sflag:s15], $0x1  }
0x94: {  	[sflag:s15] =	ssyncset.done $0x0  }
0x95: {  	s16 =	sld [smem:$0x10];
	[sflag:s15] =	ssyncadd.s32 $0xFFFFFFFF  }
0x96: {  	s17 =	sld [smem:$0x11];
	(tm) =	ssettm $0x1  }
0x97: {  	s18 =	sld [smem:$0x3FFB];
	_ =	sdelay $0x3  }
0x98: {  	_ =	strace s18  }
0x99: {  	s4 =	sld [smem:$0x3FFC];
	_ =	sdelay $0x3  }
0x9a: {  	_ =	strace s4  }
0x9b: {  	s4 =	sld [smem:$0x3FFD];
	_ =	sdelay $0x3  }
0x9c: {  	_ =	strace s4  }
0x9d: {  	_ =	strace $0x8FFFFFFF  }
0x9e: {  	s19 =	sld [smem:$0x3FDB];
	_ =	sdelay $0x1  }
0x9f: {  	s5 =	simm.s32 $_scs_section_size  }
0xa0: {  	s6 =	simm.s32 $_size__tile_overlayer_lowered;
	s7 =	simm.s32 $_tile_overlayer_lowered  }
0xa1: {  	s22 =	simm.s32 $0x1BFF;
	s21 =	sshll.u32 s7, $0x1;
	s4 =	sadd.s32 s5, s19  }
0xa2: {  	s8 =	simm.s32 $0x0;
	s20 =	sshll.u32 s6, $0x1;
	s6 =	sadd.s32 s21, s4  }
0xa3: {  	[timem:s8], [sflag:s22] =	dma.local [hbm:s6], s20  }
0xa4: {  	_ =	swait.ge [sflag:s22], s20  }
0xa5: {  	s5 =	ssub.s32 $0x0, s20;
	[sflag:s22] =	ssyncset.done $0x0  }
0xa6: {  	[sflag:s22] =	ssyncadd.s32 s5;
	_ =	sdelay $0x1  }
0xa7: {  	s23 =	simm.s32 $0x1B8B  }
0xa8: {  	_ =	swait.ge [sflag:s23], $0x1  }
0xa9: {  	[sflag:s23] =	ssyncset.done $0x0  }
0xaa: {  	s25 =	simm.s32 $0x1B8E;
	s24 =	sld [smem:$0x3FFE];
	[sflag:s23] =	ssyncadd.s32 $0xFFFFFFFF  }
0xab: {  	s26 =	simm.s32 $execute0_lowered;
	[smem:$0x3FD2] =	sst s25  }
0xac: {  	s6 =	sshll.u32 s26, $0x1;
	_ =	strace $0x80000046;
	[dreg:$0x1] =	wrdreg $0xFFFFFFFF  }
0xad: {  	s28 =	simm.s32 $_size_execute0_lowered;
	s4 =	sadd.s32 s4, s6;
	[dreg:$0x0] =	wrdreg $0x0  }
0xae: {  	s6 =	sshll.u32 s28, $0x1;
	[dreg:$0x2] =	wrdreg s4  }
0xaf: {  	[dreg:$0x3] =	wrdreg s6  }
0xb0: {  	[dreg:$0x4] =	wrdreg $0xC0  }
0xb1: {  	_ =	task [dreg:s8], $0x5FFFF  }
0xb2: {  	[dreg:$0x1] =	wrdreg $0xFFFFFFFF  }
0xb3: {  	[dreg:$0x0] =	wrdreg $0x60  }
0xb4: {  	[dreg:$0x2] =	wrdreg s24  }
0xb5: {  	[dreg:$0x3] =	wrdreg s16  }
0xb6: {  	[dreg:$0x4] =	wrdreg s17  }
0xb7: {  	[dreg:$0x5] =	wrdreg $0x0  }
0xb8: {  	[dreg:$0x6] =	wrdreg $0x9  }
0xb9: {  	_ =	task.clear_ibuf [dreg:s8], $0x7FFFF;
	_ =	strace $0x90000046  }
0xba: {  	s29 =	simm.s32 $0x9;
	_ =	strace $0x80000048  }
0xbb: {  	_ =	swait.ge [sflag:s29], $0x1  }
0xbc: {  	[sflag:s29] =	ssyncadd.s32 $0xFFFFFFFF  }
0xbd: {  	_ =	strace $0x90000048  }
0xbe: {  	_ =	sfence  }
0xbf: {  	s30 =	sld [smem:$0x0];
	_ =	sdelay $0x2  }
0xc0: {  	s31 =	sshll.u32 s1, $0xD;
	s1 =	sshrl.u32 s1, $0x2  }
0xc1: {  	s3 =	sand.u32 $0x4000, s31;
	s1 =	sadd.s32 s1, s30  }
0xc2: {  	s0 =	sor.u32 s3, s0;
	s1 =	sshll.u32 s1, $0x11  }
0xc3: {  	s0 =	sor.u32 s1, s0  }
0xc4: {  	s0 =	sadd.s32 $0x8F2B, s0  }
0xc5: {  	[sflag:s0] =	ssyncadd.remote.s32 $0x1  }
0xc6: {  	_ =	sfence.sel $0xFFFF  }
0xc7: {  	[dreg:$0x0] =	wrdreg $0xFFFFFFFF;
	(pc) =	sbr.abs _section_cstart, $3  }
0xc8: {  	[dreg:$0x1] =	wrdreg $0xFFFFFFFF  }
0xc9: {  	_ =	task.clear_ibuf [dreg:s8], $0x2FFFF;
	_ =	strace $0x9FFFFFFF  }
0xca: {  	(tm) =	ssettm $0x7FFFFFFF  }
0xcb: {  	_ =	shalt  }
tec
execute0_lowered:
.L_overlay_start_1:
0x0: {  	(tag) =	ssettag $0x1  }
0x1: {  	s0 =	rddreg [dreg:$0x0]  }
0x2: {  	s1 =	rddreg [dreg:$0x1];
	s2 =	srdreg.scid  }
0x3: {  	s5 =	rddreg [dreg:$0x2];
	s11 =	stileid.u32  }
0x4: {  	s3 =	simm.s32 $0x0;
	s12 =	simm.s32 $0x1;
	s13 =	simm.s32 $0x2780  }
0x5: {  	s14 =	simm.s32 $0x2B80;
	s15 =	simm.s32 $0x80;
	s16 =	simm.s32 $0x2F80  }
0x6: {  	s17 =	simm.s32 $0x2800;
	s18 =	simm.s32 $0x2C00;
	s19 =	simm.s32 $0x2880  }
0x7: {  	s20 =	simm.s32 $0x2C80;
	s21 =	simm.s32 $0x2900;
	s22 =	simm.s32 $0x2D00  }
0x8: {  	s23 =	simm.s32 $0x2980;
	s28 =	simm.s32 $0x2A80;
	s7 =	smul.u32 $0x1400, s11  }
0x9: {  	s29 =	simm.s32 $0x2E80;
	s6 =	sand.u32 $0x1, s2;
	s24 =	smul.u32 $0x2780, s11  }
0xa: {  	s30 =	simm.s32 $0x2B00;
	s2 =	rddreg [dreg:$0x3];
	s4 =	smul.u32 $0x14000, s6  }
0xb: {  	s31 =	simm.s32 $0x2F00;
	[smem:$0x7FF] =	sst s3;
	s8 =	smul.u32 $0x27800, s6  }
0xc: {  	s26 =	sshll.u32 s11, $0x6;
	_ =	strace $0x80000047;
	s6 =	ssub.s32 $0x2, s6  }
0xd: {  	s25 =	sshrl.u32 s6, $0x1;
	s4 =	sadd.s32 s7, s4;
	s8 =	sadd.s32 s24, s8  }
0xe: {  	s7 =	sadd.s32 s24, s2;
	s24 =	simm.s32 $0x2D80;
	s10 =	sshrl.u32 s4, $0x3  }
0xf: {  	s4 =	sadd.s32 $0x1C00, s0;
	s8 =	sshrl.u32 s8, $0x3;
	s9 =	sadd.s32 s10, s0  }
0x10: {  	s0 =	sadd.s32 $0xBC00, s0;
	s5 =	sadd.s32 s5, s8;
	s10 =	sadd.s32 s10, s1  }
0x11: {  	s1 =	simm.s32 $0x0;
	[dreg:$0x5] =	wrdreg s0;
	s0 =	ssub.s32 s6, s25  }
0x12: {  	s6 =	sor.u32 $0x1C01, s26;
	[dreg:$0x6] =	wrdreg s5;
	s5 =	sshrl.u32 s7, $0x3  }
0x13: {  	s9 =	sadd.s32 $0x6C00, s9;
	s0 =	smax.u32 s0, $0x1;
	[dreg:$0x8] =	wrdreg s5  }
0x14: {  	s25 =	simm.s32 $0x2A00;
	s26 =	simm.s32 $0x2E00;
	[dreg:$0x7] =	wrdreg s0  }
.LBB2_1:
0x15: {  	s0 =	rddreg [dreg:$0x5]  }
0x16: {  	[spmem:s5], [sflag:s6] =	dma.local [hbm:s0], $0x4F0  }
0x17: {  	_ =	swait.ge [sflag:s12], $0x4F0  }
0x18: {  	[sflag:s12] =	ssyncset.done $0x0  }
0x19: {  	[sflag:s12] =	ssyncadd.s32 $0xFFFFFB10  }
0x1a: {  	s7 =	sadd.s32 $0x0, s10;
	[bflag:$0x0] =	sbarrier.arrive $0xFFFF  }
0x1b: {  	[tilespmem:s13], [sflag:$0x1] =	stream.linear.gather [hbm4b:s7+s3], $0x400, $0x38;
	[tilespmem:$0x3780] =	vst v63  }
0x1c: {  	_ =	swait.ge [sflag:s12], $0x400  }
0x1d: {  	[sflag:s12] =	ssyncset.done $0x0  }
0x1e: {  	s8 =	sadd.s32 $0x0, s9;
	[sflag:s12] =	ssyncadd.s32 $0xFFFFFC00  }
0x1f: {  	[tilespmem:s14], [sflag:$0x1] =	stream.linear.gather [hbm4b:s8+s3], $0x400, $0x38;
	[tilespmem:$0x3780] =	vst v63  }
0x20: {  	_ =	swait.ge [sflag:s12], $0x400  }
0x21: {  	[sflag:s12] =	ssyncset.done $0x0  }
0x22: {  	[sflag:s12] =	ssyncadd.s32 $0xFFFFFC00  }
0x23: {  	[tilespmem:s16], [sflag:$0x1] =	stream.indirect.gather [hbm4b:s4+s15], $0x10, s13, s15, $0xb8;
	[tilespmem:$0x3780] =	vst v63  }
0x24: {  	_ =	swait.ge [sflag:s12], $0x800  }
0x25: {  	[sflag:s12] =	ssyncset.done $0x0  }
0x26: {  	[sflag:s12] =	ssyncadd.s32 $0xFFFFF800  }
0x27: {  	[spmem:s2] =	stream.indirect.scatter.add.f32 [tilespmem:s16], [sflag:$0x1], $0x10, s14, s15, $0xb8;
	[tilespmem:$0x3780] =	vst v63  }
0x28: {  	_ =	swait.ge [sflag:s12], $0x800  }
0x29: {  	[sflag:s12] =	ssyncset.done $0x0  }
0x2a: {  	[sflag:s12] =	ssyncadd.s32 $0xFFFFF800  }
0x2b: {  	[tilespmem:s16], [sflag:$0x1] =	stream.indirect.gather [hbm4b:s4+s15], $0x10, s17, s15, $0xb8;
	[tilespmem:$0x3780] =	vst v63  }
0x2c: {  	_ =	swait.ge [sflag:s12], $0x800  }
0x2d: {  	[sflag:s12] =	ssyncset.done $0x0  }
0x2e: {  	[sflag:s12] =	ssyncadd.s32 $0xFFFFF800  }
0x2f: {  	[spmem:s2] =	stream.indirect.scatter.add.f32 [tilespmem:s16], [sflag:$0x1], $0x10, s18, s15, $0xb8;
	[tilespmem:$0x3780] =	vst v63  }
0x30: {  	_ =	swait.ge [sflag:s12], $0x800  }
0x31: {  	[sflag:s12] =	ssyncset.done $0x0  }
0x32: {  	[sflag:s12] =	ssyncadd.s32 $0xFFFFF800  }
0x33: {  	[tilespmem:s16], [sflag:$0x1] =	stream.indirect.gather [hbm4b:s4+s15], $0x10, s19, s15, $0xb8;
	[tilespmem:$0x3780] =	vst v63  }
0x34: {  	_ =	swait.ge [sflag:s12], $0x800  }
0x35: {  	[sflag:s12] =	ssyncset.done $0x0  }
0x36: {  	[sflag:s12] =	ssyncadd.s32 $0xFFFFF800  }
0x37: {  	[spmem:s2] =	stream.indirect.scatter.add.f32 [tilespmem:s16], [sflag:$0x1], $0x10, s20, s15, $0xb8;
	[tilespmem:$0x3780] =	vst v63  }
0x38: {  	_ =	swait.ge [sflag:s12], $0x800  }
0x39: {  	[sflag:s12] =	ssyncset.done $0x0  }
0x3a: {  	[sflag:s12] =	ssyncadd.s32 $0xFFFFF800  }
0x3b: {  	[tilespmem:s16], [sflag:$0x1] =	stream.indirect.gather [hbm4b:s4+s15], $0x10, s21, s15, $0xb8;
	[tilespmem:$0x3780] =	vst v63  }
0x3c: {  	_ =	swait.ge [sflag:s12], $0x800  }
0x3d: {  	[sflag:s12] =	ssyncset.done $0x0  }
0x3e: {  	[sflag:s12] =	ssyncadd.s32 $0xFFFFF800  }
0x3f: {  	[spmem:s2] =	stream.indirect.scatter.add.f32 [tilespmem:s16], [sflag:$0x1], $0x10, s22, s15, $0xb8;
	[tilespmem:$0x3780] =	vst v63  }
0x40: {  	_ =	swait.ge [sflag:s12], $0x800  }
0x41: {  	[sflag:s12] =	ssyncset.done $0x0  }
0x42: {  	[sflag:s12] =	ssyncadd.s32 $0xFFFFF800  }
0x43: {  	[tilespmem:s16], [sflag:$0x1] =	stream.indirect.gather [hbm4b:s4+s15], $0x10, s23, s15, $0xb8;
	[tilespmem:$0x3780] =	vst v63  }
0x44: {  	_ =	swait.ge [sflag:s12], $0x800  }
0x45: {  	[sflag:s12] =	ssyncset.done $0x0  }
0x46: {  	[sflag:s12] =	ssyncadd.s32 $0xFFFFF800  }
0x47: {  	[spmem:s2] =	stream.indirect.scatter.add.f32 [tilespmem:s16], [sflag:$0x1], $0x10, s24, s15, $0xb8;
	[tilespmem:$0x3780] =	vst v63  }
0x48: {  	_ =	swait.ge [sflag:s12], $0x800  }
0x49: {  	[sflag:s12] =	ssyncset.done $0x0  }
0x4a: {  	[sflag:s12] =	ssyncadd.s32 $0xFFFFF800  }
0x4b: {  	[tilespmem:s16], [sflag:$0x1] =	stream.indirect.gather [hbm4b:s4+s15], $0x10, s25, s15, $0xb8;
	[tilespmem:$0x3780] =	vst v63  }
0x4c: {  	_ =	swait.ge [sflag:s12], $0x800  }
0x4d: {  	[sflag:s12] =	ssyncset.done $0x0  }
0x4e: {  	[sflag:s12] =	ssyncadd.s32 $0xFFFFF800  }
0x4f: {  	[spmem:s2] =	stream.indirect.scatter.add.f32 [tilespmem:s16], [sflag:$0x1], $0x10, s26, s15, $0xb8;
	[tilespmem:$0x3780] =	vst v63  }
0x50: {  	_ =	swait.ge [sflag:s12], $0x800  }
0x51: {  	[sflag:s12] =	ssyncset.done $0x0  }
0x52: {  	[sflag:s12] =	ssyncadd.s32 $0xFFFFF800  }
0x53: {  	[tilespmem:s16], [sflag:$0x1] =	stream.indirect.gather [hbm4b:s4+s15], $0x10, s28, s15, $0xb8;
	[tilespmem:$0x3780] =	vst v63  }
0x54: {  	_ =	swait.ge [sflag:s12], $0x800  }
0x55: {  	[sflag:s12] =	ssyncset.done $0x0  }
0x56: {  	[sflag:s12] =	ssyncadd.s32 $0xFFFFF800  }
0x57: {  	[spmem:s2] =	stream.indirect.scatter.add.f32 [tilespmem:s16], [sflag:$0x1], $0x10, s29, s15, $0xb8;
	[tilespmem:$0x3780] =	vst v63  }
0x58: {  	_ =	swait.ge [sflag:s12], $0x800  }
0x59: {  	[sflag:s12] =	ssyncset.done $0x0  }
0x5a: {  	[sflag:s12] =	ssyncadd.s32 $0xFFFFF800  }
0x5b: {  	[tilespmem:s16], [sflag:$0x1] =	stream.indirect.gather [hbm4b:s4+s15], $0x10, s30, s15, $0xb8;
	[tilespmem:$0x3780] =	vst v63  }
0x5c: {  	_ =	swait.ge [sflag:s12], $0x800  }
0x5d: {  	[sflag:s12] =	ssyncset.done $0x0  }
0x5e: {  	[sflag:s12] =	ssyncadd.s32 $0xFFFFF800  }
0x5f: {  	[spmem:s2] =	stream.indirect.scatter.add.f32 [tilespmem:s16], [sflag:$0x1], $0x10, s31, s15, $0xb8;
	[tilespmem:$0x3780] =	vst v63  }
0x60: {  	s11 =	smov.u32 s6;
	_ =	swait.ge [sflag:s12], $0x800  }
0x61: {  	s0 =	simm.s32 $0x80;
	s5 =	simm.s32 $0x100;
	[sflag:s12] =	ssyncset.done $0x0  }
.LBB2_2:
0x62: {  	s8 =	sadd.s32 s0, s10  }
0x63: {  	[sflag:s12] =	ssyncadd.s32 $0xFFFFF800;
	s6 =	smov.u32 s5;
	s7 =	sadd.s32 $0x80, s5  }
0x64: {  	[tilespmem:s13], [sflag:$0x1] =	stream.linear.gather [hbm4b:s8+s3], $0x400, $0x38;
	[tilespmem:$0x3780] =	vst v63  }
0x65: {  	p0 =	sne.s32 s5, $0x200;
	_ =	swait.ge [sflag:s12], $0x400  }
0x66: {  	[sflag:s12] =	ssyncset.done $0x0  }
0x67: {  	s5 =	sadd.s32 s0, s9;
	s0 =	smov.u32 s6;
	[sflag:s12] =	ssyncadd.s32 $0xFFFFFC00  }
0x68: {  	[tilespmem:s14], [sflag:$0x1] =	stream.linear.gather [hbm4b:s5+s3], $0x400, $0x38;
	[tilespmem:$0x3780] =	vst v63  }
0x69: {  	_ =	swait.ge [sflag:s12], $0x400  }
0x6a: {  	[sflag:s12] =	ssyncset.done $0x0  }
0x6b: {  	[sflag:s12] =	ssyncadd.s32 $0xFFFFFC00  }
0x6c: {  	[tilespmem:s16], [sflag:$0x1] =	stream.indirect.gather [hbm4b:s4+s15], $0x10, s13, s15, $0xb8;
	[tilespmem:$0x3780] =	vst v63  }
0x6d: {  	_ =	swait.ge [sflag:s12], $0x800  }
0x6e: {  	[sflag:s12] =	ssyncset.done $0x0  }
0x6f: {  	[sflag:s12] =	ssyncadd.s32 $0xFFFFF800  }
0x70: {  	[spmem:s2] =	stream.indirect.scatter.add.f32 [tilespmem:s16], [sflag:$0x1], $0x10, s14, s15, $0xb8;
	[tilespmem:$0x3780] =	vst v63  }
0x71: {  	_ =	swait.ge [sflag:s12], $0x800  }
0x72: {  	[sflag:s12] =	ssyncset.done $0x0  }
0x73: {  	[sflag:s12] =	ssyncadd.s32 $0xFFFFF800  }
0x74: {  	[tilespmem:s16], [sflag:$0x1] =	stream.indirect.gather [hbm4b:s4+s15], $0x10, s17, s15, $0xb8;
	[tilespmem:$0x3780] =	vst v63  }
0x75: {  	_ =	swait.ge [sflag:s12], $0x800  }
0x76: {  	[sflag:s12] =	ssyncset.done $0x0  }
0x77: {  	[sflag:s12] =	ssyncadd.s32 $0xFFFFF800  }
0x78: {  	[spmem:s2] =	stream.indirect.scatter.add.f32 [tilespmem:s16], [sflag:$0x1], $0x10, s18, s15, $0xb8;
	[tilespmem:$0x3780] =	vst v63  }
0x79: {  	_ =	swait.ge [sflag:s12], $0x800  }
0x7a: {  	[sflag:s12] =	ssyncset.done $0x0  }
0x7b: {  	[sflag:s12] =	ssyncadd.s32 $0xFFFFF800  }
0x7c: {  	[tilespmem:s16], [sflag:$0x1] =	stream.indirect.gather [hbm4b:s4+s15], $0x10, s19, s15, $0xb8;
	[tilespmem:$0x3780] =	vst v63  }
0x7d: {  	_ =	swait.ge [sflag:s12], $0x800  }
0x7e: {  	[sflag:s12] =	ssyncset.done $0x0  }
0x7f: {  	[sflag:s12] =	ssyncadd.s32 $0xFFFFF800  }
0x80: {  	[spmem:s2] =	stream.indirect.scatter.add.f32 [tilespmem:s16], [sflag:$0x1], $0x10, s20, s15, $0xb8;
	[tilespmem:$0x3780] =	vst v63  }
0x81: {  	_ =	swait.ge [sflag:s12], $0x800  }
0x82: {  	[sflag:s12] =	ssyncset.done $0x0  }
0x83: {  	[sflag:s12] =	ssyncadd.s32 $0xFFFFF800  }
0x84: {  	[tilespmem:s16], [sflag:$0x1] =	stream.indirect.gather [hbm4b:s4+s15], $0x10, s21, s15, $0xb8;
	[tilespmem:$0x3780] =	vst v63  }
0x85: {  	_ =	swait.ge [sflag:s12], $0x800  }
0x86: {  	[sflag:s12] =	ssyncset.done $0x0  }
0x87: {  	[sflag:s12] =	ssyncadd.s32 $0xFFFFF800  }
0x88: {  	[spmem:s2] =	stream.indirect.scatter.add.f32 [tilespmem:s16], [sflag:$0x1], $0x10, s22, s15, $0xb8;
	[tilespmem:$0x3780] =	vst v63  }
0x89: {  	_ =	swait.ge [sflag:s12], $0x800  }
0x8a: {  	[sflag:s12] =	ssyncset.done $0x0  }
0x8b: {  	[sflag:s12] =	ssyncadd.s32 $0xFFFFF800  }
0x8c: {  	[tilespmem:s16], [sflag:$0x1] =	stream.indirect.gather [hbm4b:s4+s15], $0x10, s23, s15, $0xb8;
	[tilespmem:$0x3780] =	vst v63  }
0x8d: {  	_ =	swait.ge [sflag:s12], $0x800  }
0x8e: {  	[sflag:s12] =	ssyncset.done $0x0  }
0x8f: {  	[sflag:s12] =	ssyncadd.s32 $0xFFFFF800  }
0x90: {  	[spmem:s2] =	stream.indirect.scatter.add.f32 [tilespmem:s16], [sflag:$0x1], $0x10, s24, s15, $0xb8;
	[tilespmem:$0x3780] =	vst v63  }
0x91: {  	_ =	swait.ge [sflag:s12], $0x800  }
0x92: {  	[sflag:s12] =	ssyncset.done $0x0  }
0x93: {  	[sflag:s12] =	ssyncadd.s32 $0xFFFFF800  }
0x94: {  	[tilespmem:s16], [sflag:$0x1] =	stream.indirect.gather [hbm4b:s4+s15], $0x10, s25, s15, $0xb8;
	[tilespmem:$0x3780] =	vst v63  }
0x95: {  	_ =	swait.ge [sflag:s12], $0x800  }
0x96: {  	[sflag:s12] =	ssyncset.done $0x0  }
0x97: {  	[sflag:s12] =	ssyncadd.s32 $0xFFFFF800  }
0x98: {  	[spmem:s2] =	stream.indirect.scatter.add.f32 [tilespmem:s16], [sflag:$0x1], $0x10, s26, s15, $0xb8;
	[tilespmem:$0x3780] =	vst v63  }
0x99: {  	_ =	swait.ge [sflag:s12], $0x800  }
0x9a: {  	[sflag:s12] =	ssyncset.done $0x0  }
0x9b: {  	[sflag:s12] =	ssyncadd.s32 $0xFFFFF800  }
0x9c: {  	[tilespmem:s16], [sflag:$0x1] =	stream.indirect.gather [hbm4b:s4+s15], $0x10, s28, s15, $0xb8;
	[tilespmem:$0x3780] =	vst v63  }
0x9d: {  	_ =	swait.ge [sflag:s12], $0x800  }
0x9e: {  	[sflag:s12] =	ssyncset.done $0x0  }
0x9f: {  	[sflag:s12] =	ssyncadd.s32 $0xFFFFF800  }
0xa0: {  	[spmem:s2] =	stream.indirect.scatter.add.f32 [tilespmem:s16], [sflag:$0x1], $0x10, s29, s15, $0xb8;
	[tilespmem:$0x3780] =	vst v63  }
0xa1: {  	_ =	swait.ge [sflag:s12], $0x800  }
0xa2: {  	[sflag:s12] =	ssyncset.done $0x0  }
0xa3: {  	[sflag:s12] =	ssyncadd.s32 $0xFFFFF800  }
0xa4: {  	[tilespmem:s16], [sflag:$0x1] =	stream.indirect.gather [hbm4b:s4+s15], $0x10, s30, s15, $0xb8;
	[tilespmem:$0x3780] =	vst v63  }
0xa5: {  	_ =	swait.ge [sflag:s12], $0x800  }
.Ltmp0:
0xa6: {  	[sflag:s12] =	ssyncset.done $0x0;
	(pc) =	sbr.rel @p0 .LBB2_2-.Ltmp0, $4  }
0xa7: {  	[sflag:s12] =	ssyncadd.s32 $0xFFFFF800  }
0xa8: {  	[spmem:s2] =	stream.indirect.scatter.add.f32 [tilespmem:s16], [sflag:$0x1], $0x10, s31, s15, $0xb8;
	[tilespmem:$0x3780] =	vst v63  }
0xa9: {  	_ =	swait.ge [sflag:s12], $0x800  }
0xaa: {  	s5 =	smov.u32 s7;
	[sflag:s12] =	ssyncset.done $0x0  }
0xab: {  	s5 =	sadd.s32 s0, s10;
	[sflag:s12] =	ssyncadd.s32 $0xFFFFF800  }
0xac: {  	[tilespmem:s13], [sflag:$0x1] =	stream.linear.gather [hbm4b:s5+s3], $0x400, $0x38;
	[tilespmem:$0x3780] =	vst v63  }
0xad: {  	_ =	swait.ge [sflag:s12], $0x400  }
0xae: {  	[sflag:s12] =	ssyncset.done $0x0  }
0xaf: {  	s7 =	sadd.s32 s0, s9;
	[sflag:s12] =	ssyncadd.s32 $0xFFFFFC00  }
0xb0: {  	[tilespmem:s14], [sflag:$0x1] =	stream.linear.gather [hbm4b:s7+s3], $0x400, $0x38;
	[tilespmem:$0x3780] =	vst v63  }
0xb1: {  	_ =	swait.ge [sflag:s12], $0x400  }
0xb2: {  	[sflag:s12] =	ssyncset.done $0x0  }
0xb3: {  	[sflag:s12] =	ssyncadd.s32 $0xFFFFFC00  }
0xb4: {  	[tilespmem:s16], [sflag:$0x1] =	stream.indirect.gather [hbm4b:s4+s15], $0x10, s13, s15, $0xb8;
	[tilespmem:$0x3780] =	vst v63  }
0xb5: {  	_ =	swait.ge [sflag:s12], $0x800  }
0xb6: {  	[sflag:s12] =	ssyncset.done $0x0  }
0xb7: {  	[sflag:s12] =	ssyncadd.s32 $0xFFFFF800  }
0xb8: {  	[spmem:s2] =	stream.indirect.scatter.add.f32 [tilespmem:s16], [sflag:$0x1], $0x10, s14, s15, $0xb8;
	[tilespmem:$0x3780] =	vst v63  }
0xb9: {  	_ =	swait.ge [sflag:s12], $0x800  }
0xba: {  	[sflag:s12] =	ssyncset.done $0x0  }
0xbb: {  	[sflag:s12] =	ssyncadd.s32 $0xFFFFF800  }
0xbc: {  	[tilespmem:s16], [sflag:$0x1] =	stream.indirect.gather [hbm4b:s4+s15], $0x10, s17, s15, $0xb8;
	[tilespmem:$0x3780] =	vst v63  }
0xbd: {  	_ =	swait.ge [sflag:s12], $0x800  }
0xbe: {  	[sflag:s12] =	ssyncset.done $0x0  }
0xbf: {  	[sflag:s12] =	ssyncadd.s32 $0xFFFFF800  }
0xc0: {  	[spmem:s2] =	stream.indirect.scatter.add.f32 [tilespmem:s16], [sflag:$0x1], $0x10, s18, s15, $0xb8;
	[tilespmem:$0x3780] =	vst v63  }
0xc1: {  	_ =	swait.ge [sflag:s12], $0x800  }
0xc2: {  	[sflag:s12] =	ssyncset.done $0x0  }
0xc3: {  	[sflag:s12] =	ssyncadd.s32 $0xFFFFF800  }
0xc4: {  	[tilespmem:s16], [sflag:$0x1] =	stream.indirect.gather [hbm4b:s4+s15], $0x10, s19, s15, $0xb8;
	[tilespmem:$0x3780] =	vst v63  }
0xc5: {  	_ =	swait.ge [sflag:s12], $0x800  }
0xc6: {  	[sflag:s12] =	ssyncset.done $0x0  }
0xc7: {  	[sflag:s12] =	ssyncadd.s32 $0xFFFFF800  }
0xc8: {  	[spmem:s2] =	stream.indirect.scatter.add.f32 [tilespmem:s16], [sflag:$0x1], $0x10, s20, s15, $0xb8;
	[tilespmem:$0x3780] =	vst v63  }
0xc9: {  	_ =	swait.ge [sflag:s12], $0x800  }
0xca: {  	[sflag:s12] =	ssyncset.done $0x0  }
0xcb: {  	[sflag:s12] =	ssyncadd.s32 $0xFFFFF800  }
0xcc: {  	[tilespmem:s16], [sflag:$0x1] =	stream.indirect.gather [hbm4b:s4+s15], $0x10, s21, s15, $0xb8;
	[tilespmem:$0x3780] =	vst v63  }
0xcd: {  	_ =	swait.ge [sflag:s12], $0x800  }
0xce: {  	[sflag:s12] =	ssyncset.done $0x0  }
0xcf: {  	[sflag:s12] =	ssyncadd.s32 $0xFFFFF800  }
0xd0: {  	[spmem:s2] =	stream.indirect.scatter.add.f32 [tilespmem:s16], [sflag:$0x1], $0x10, s22, s15, $0xb8;
	[tilespmem:$0x3780] =	vst v63  }
0xd1: {  	_ =	swait.ge [sflag:s12], $0x800  }
0xd2: {  	[sflag:s12] =	ssyncset.done $0x0  }
0xd3: {  	[sflag:s12] =	ssyncadd.s32 $0xFFFFF800  }
0xd4: {  	[tilespmem:s16], [sflag:$0x1] =	stream.indirect.gather [hbm4b:s4+s15], $0x10, s23, s15, $0xb8;
	[tilespmem:$0x3780] =	vst v63  }
0xd5: {  	_ =	swait.ge [sflag:s12], $0x800  }
0xd6: {  	[sflag:s12] =	ssyncset.done $0x0  }
0xd7: {  	[sflag:s12] =	ssyncadd.s32 $0xFFFFF800  }
0xd8: {  	[spmem:s2] =	stream.indirect.scatter.add.f32 [tilespmem:s16], [sflag:$0x1], $0x10, s24, s15, $0xb8;
	[tilespmem:$0x3780] =	vst v63  }
0xd9: {  	_ =	swait.ge [sflag:s12], $0x800  }
0xda: {  	[sflag:s12] =	ssyncset.done $0x0  }
0xdb: {  	[sflag:s12] =	ssyncadd.s32 $0xFFFFF800  }
0xdc: {  	[tilespmem:s16], [sflag:$0x1] =	stream.indirect.gather [hbm4b:s4+s15], $0x10, s25, s15, $0xb8;
	[tilespmem:$0x3780] =	vst v63  }
0xdd: {  	_ =	swait.ge [sflag:s12], $0x800  }
0xde: {  	[sflag:s12] =	ssyncset.done $0x0  }
0xdf: {  	[sflag:s12] =	ssyncadd.s32 $0xFFFFF800  }
0xe0: {  	[spmem:s2] =	stream.indirect.scatter.add.f32 [tilespmem:s16], [sflag:$0x1], $0x10, s26, s15, $0xb8;
	[tilespmem:$0x3780] =	vst v63  }
0xe1: {  	_ =	swait.ge [sflag:s12], $0x800  }
0xe2: {  	[sflag:s12] =	ssyncset.done $0x0  }
0xe3: {  	[sflag:s12] =	ssyncadd.s32 $0xFFFFF800  }
0xe4: {  	[tilespmem:s16], [sflag:$0x1] =	stream.indirect.gather [hbm4b:s4+s15], $0x10, s28, s15, $0xb8;
	[tilespmem:$0x3780] =	vst v63  }
0xe5: {  	_ =	swait.ge [sflag:s12], $0x800  }
0xe6: {  	[sflag:s12] =	ssyncset.done $0x0  }
0xe7: {  	[sflag:s12] =	ssyncadd.s32 $0xFFFFF800  }
0xe8: {  	[spmem:s2] =	stream.indirect.scatter.add.f32 [tilespmem:s16], [sflag:$0x1], $0x10, s29, s15, $0xb8;
	[tilespmem:$0x3780] =	vst v63  }
0xe9: {  	_ =	swait.ge [sflag:s12], $0x800  }
0xea: {  	[sflag:s12] =	ssyncset.done $0x0  }
0xeb: {  	[sflag:s12] =	ssyncadd.s32 $0xFFFFF800  }
0xec: {  	[tilespmem:s16], [sflag:$0x1] =	stream.indirect.gather [hbm4b:s4+s15], $0x10, s30, s15, $0xb8;
	[tilespmem:$0x3780] =	vst v63  }
0xed: {  	_ =	swait.ge [sflag:s12], $0x800  }
0xee: {  	[sflag:s12] =	ssyncset.done $0x0  }
0xef: {  	[sflag:s12] =	ssyncadd.s32 $0xFFFFF800  }
0xf0: {  	[spmem:s2] =	stream.indirect.scatter.add.f32 [tilespmem:s16], [sflag:$0x1], $0x10, s31, s15, $0xb8;
	[tilespmem:$0x3780] =	vst v63  }
0xf1: {  	_ =	swait.ge [sflag:s12], $0x800  }
0xf2: {  	[sflag:s12] =	ssyncset.done $0x0  }
0xf3: {  	[sflag:s12] =	ssyncadd.s32 $0xFFFFF800  }
0xf4: {  	[bflag:$0x0] =	sbarrier.arrive $0xFFFF  }
0xf5: {  	s8 =	rddreg [dreg:$0x6]  }
0xf6: {  	s5 =	rddreg [dreg:$0x8]  }
0xf7: {  	[hbm:s8], [sflag:s11] =	dma.local [spmem:s5], $0x4F0  }
0xf8: {  	_ =	swait.ge [sflag:s12], $0x4F0  }
0xf9: {  	s6 =	smov.u32 s11;
	s1 =	sadd.s32 $0x1, s1;
	s11 =	rddreg [dreg:$0x7]  }
0xfa: {  	p0 =	sne.s32 s1, s11  }
.Ltmp1:
0xfb: {  	_ = 	snop;
	(pc) =	sbr.rel @p0 .LBB2_1-.Ltmp1, $3  }
0xfc: {  	_ =	sdelay $0x1  }
0xfd: {  	[sflag:s12] =	ssyncset.done $0x0  }
0xfe: {  	[sflag:s12] =	ssyncadd.s32 $0xFFFFFB10  }
0xff: {  	_ =	sfence.sel $0x180000  }
0x100: {  	[bflag:$0x0] =	sbarrier.arrive $0xFFFF  }
0x101: {  	_ =	strace $0x90000047  }
0x102: {  	s0 =	stileid.u32;
	[bflag:$0x2] =	sbarrier.arrive $0xFFFF  }
0x103: {  	p0 =	sne.s32 s0, $0x0;
	s0 =	rddreg [dreg:$0x4]  }
0x104: {  	s0 =	sadd.s32 @!p0 $0x100000, s0  }
0x105: {  	[sflag:s0] =	ssyncadd.tile.s32 @!p0 $0x1;
	_ =	shalt  }
.Lfunc_end2:
_tile_overlayer_lowered:
.L_overlay_start_2:
0x106: {  	(tag) =	ssettag $0x2  }
0x107: {  	s0 =	rddreg [dreg:$0x0];
	s2 =	stileid.u32  }
0x108: {  	s1 =	rddreg [dreg:$0x1];
	p0 =	sne.s32 s2, $0x0  }
0x109: {  	s3 =	rddreg [dreg:$0x2];
	[bflag:$0x3] =	sbarrier.arrive $0xFFFF;
	s2 =	simm.s32 @!p0 $0x1C01  }
0x10a: {  	[timem:s3], [sflag:s2] =	dma.local @!p0 [hbm:s0], s1  }
0x10b: {  	s0 =	simm.s32 @!p0 $0x1  }
0x10c: {  	_ =	swait.ge @!p0 [sflag:s0], s1  }
0x10d: {  	s1 =	ssub.s32 @!p0 $0x0, s1;
	[sflag:s0] =	ssyncset.done @!p0 $0x0  }
0x10e: {  	[sflag:s0] =	ssyncadd.s32 @!p0 s1  }
0x10f: {  	[bflag:$0x3] =	sbarrier.arrive $0xFFFF  }
0x110: {  	_ =	shalt  }

</sc_bundles>
